<compile_context>
chip_gen: v7x
topology: tpu7x:2x2x1
jax: 0.10.2.dev20260603
libtpu: 0.0.44.dev20260713+nightly
codegen_flags: <defaults>
</compile_context>

<pallas_src>
import functools

import jax
import jax.numpy as jnp
from jax import lax
from jax.experimental import pallas as pl
from jax.experimental.pallas import tpu as pltpu
from jax.experimental.pallas import tpu_sc as plsc

T = 2048
D = 1024
DFF = 4096
E = 8
CAP = 307
CAP_PAD = 384
NROWS = E * CAP_PAD
NSH = 2
DSH = DFF // 2

_HI = jax.lax.Precision.HIGHEST


def _router_body(x_ref, gw_ref, out_ref):
    logits = jnp.dot(x_ref[...].astype(jnp.bfloat16),
                     gw_ref[...].astype(jnp.bfloat16),
                     preferred_element_type=jnp.float32)
    mx = jnp.max(logits, axis=1, keepdims=True)
    iot = lax.broadcasted_iota(jnp.int32, (T, E), 1)
    pick = jnp.where(logits == mx, iot, E)
    out_ref[...] = jnp.min(pick, axis=1, keepdims=True)


def _router(xr, gate_w):
    return pl.pallas_call(
        _router_body,
        out_shape=jax.ShapeDtypeStruct((T, 1), jnp.int32),
    )(xr, gate_w)


_NC = 2
_NS = 16
_NW = _NC * _NS
_GROWS = NROWS // _NW


def _routing_body(eidx_hbm, x_hbm, gathered_hbm, slot_hbm, kept_hbm, counts_hbm,
                  eidx_v, ids_v, slot_v, kept_v, cnt_v, ids_sh, idx_v, rows_v, sem):
    cid = lax.axis_index("c")
    sid = lax.axis_index("s")
    wid = sid * _NC + cid

    @pl.when(sid == 0)
    def _routing():
        pltpu.sync_copy(eidx_hbm, eidx_v)
        zero16 = jnp.zeros((16,), jnp.int32)
        for i in range(NROWS // 16):
            ids_v[pl.ds(16 * i, 16)] = zero16
        cnt_v[...] = zero16
        lanes = lax.iota(jnp.int32, 16)

        def body(i, _):
            v = eidx_v[pl.ds(i * 16, 16)]
            tok = i * 16 + lanes
            dup, lastm = plsc.scan_count(v)
            base = plsc.load_gather(cnt_v, [v])
            rank = base + dup - 1
            keep = rank < CAP
            slotv = v * CAP_PAD + rank
            slot_v[pl.ds(i * 16, 16)] = jnp.where(keep, slotv, 0)
            kept_v[pl.ds(i * 16, 16)] = jnp.where(keep, 1.0, 0.0)
            plsc.store_scatter(ids_v, [slotv], tok, mask=keep)
            plsc.store_scatter(cnt_v, [v], rank + 1, mask=lastm)
            return 0

        lax.fori_loop(0, T // 16, body, 0)
        pltpu.sync_copy(ids_v, ids_sh)

        @pl.when(cid == 0)
        def _hbm_outs():
            pltpu.sync_copy(cnt_v, counts_hbm)
            pltpu.sync_copy(slot_v, slot_hbm)
            pltpu.sync_copy(kept_v, kept_hbm)

    plsc.subcore_barrier()
    base = wid * _GROWS
    pltpu.sync_copy(ids_sh.at[pl.ds(base, _GROWS)], idx_v)
    pltpu.async_copy(x_hbm.at[idx_v], rows_v, sem).wait()
    pltpu.sync_copy(rows_v, gathered_hbm.at[pl.ds(base, _GROWS)])


def _routing_gather(eidx, xr):
    mesh = plsc.VectorSubcoreMesh(core_axis_name="c", subcore_axis_name="s",
                                  num_cores=_NC, num_subcores=_NS)
    return pl.kernel(
        _routing_body,
        out_type=[
            jax.ShapeDtypeStruct((NROWS, D), jnp.float32),
            jax.ShapeDtypeStruct((T,), jnp.int32),
            jax.ShapeDtypeStruct((T,), jnp.float32),
            jax.ShapeDtypeStruct((16,), jnp.int32),
        ],
        mesh=mesh,
        scratch_types=[
            pltpu.VMEM((T,), jnp.int32),
            pltpu.VMEM((NROWS,), jnp.int32),
            pltpu.VMEM((T,), jnp.int32),
            pltpu.VMEM((T,), jnp.float32),
            pltpu.VMEM((16,), jnp.int32),
            pltpu.VMEM_SHARED((NROWS,), jnp.int32),
            pltpu.VMEM((_GROWS,), jnp.int32),
            pltpu.VMEM((_GROWS, D), jnp.float32),
            pltpu.SemaphoreType.DMA,
        ],
        compiler_params=pltpu.CompilerParams(needs_layout_passes=False),
    )(eidx, xr)


_KC = 1024
_NKC = DFF // _KC


def _ffn_body(g_ref, w1_ref, w2_ref, w3_ref, out_ref):
    g = g_ref[...].astype(jnp.bfloat16)
    h1 = jnp.dot(g, w1_ref[0].astype(jnp.bfloat16),
                 preferred_element_type=jnp.float32)
    h2 = jnp.dot(g, w2_ref[0].astype(jnp.bfloat16),
                 preferred_element_type=jnp.float32)
    h = (h1 * (1.0 / (1.0 + jnp.exp(-h1))) * h2).astype(jnp.bfloat16)
    o = jnp.dot(h, w3_ref[0].astype(jnp.bfloat16),
                preferred_element_type=jnp.float32)

    @pl.when(pl.program_id(1) == 0)
    def _init():
        out_ref[...] = o

    @pl.when(pl.program_id(1) != 0)
    def _acc():
        out_ref[...] += o


def _expert_ffn(gathered, W1, W2, W3):
    return pl.pallas_call(
        _ffn_body,
        grid=(E, _NKC),
        in_specs=[
            pl.BlockSpec((CAP_PAD, D), lambda e, k: (e, 0)),
            pl.BlockSpec((1, D, _KC), lambda e, k: (e, 0, k)),
            pl.BlockSpec((1, D, _KC), lambda e, k: (e, 0, k)),
            pl.BlockSpec((1, _KC, D), lambda e, k: (e, k, 0)),
        ],
        out_specs=pl.BlockSpec((CAP_PAD, D), lambda e, k: (e, 0)),
        out_shape=jax.ShapeDtypeStruct((NROWS, D), jnp.float32),
    )(gathered, W1, W2, W3)


_PROWS = T // _NW


def _perm_body(slot_hbm, routed_hbm, out_hbm, idx_v, rows_v, sem):
    wid = lax.axis_index("s") * _NC + lax.axis_index("c")
    base = wid * _PROWS
    pltpu.sync_copy(slot_hbm.at[pl.ds(base, _PROWS)], idx_v)
    pltpu.async_copy(routed_hbm.at[idx_v], rows_v, sem).wait()
    pltpu.sync_copy(rows_v, out_hbm.at[pl.ds(base, _PROWS)])


def _perm(slot, routed):
    mesh = plsc.VectorSubcoreMesh(core_axis_name="c", subcore_axis_name="s",
                                  num_cores=_NC, num_subcores=_NS)
    return pl.kernel(
        _perm_body,
        out_type=jax.ShapeDtypeStruct((T, D), jnp.float32),
        mesh=mesh,
        scratch_types=[
            pltpu.VMEM((_PROWS,), jnp.int32),
            pltpu.VMEM((_PROWS, D), jnp.float32),
            pltpu.SemaphoreType.DMA,
        ],
        compiler_params=pltpu.CompilerParams(needs_layout_passes=False),
    )(slot, routed)


_SKC = 512
_NSKC = DSH // _SKC


def _shared_body(x_ref, s1_ref, s2_ref, s3_ref, out_ref, xb_ref):
    kc = pl.program_id(0)

    @pl.when(kc == 0)
    def _cast():
        xb_ref[...] = x_ref[...].astype(jnp.bfloat16)

    xx = xb_ref[...]
    h1 = jnp.dot(xx, s1_ref[0].astype(jnp.bfloat16),
                 preferred_element_type=jnp.float32)
    h2 = jnp.dot(xx, s2_ref[0].astype(jnp.bfloat16),
                 preferred_element_type=jnp.float32)
    h = (h1 * (1.0 / (1.0 + jnp.exp(-h1))) * h2).astype(jnp.bfloat16)
    o = jnp.dot(h, s3_ref[0].astype(jnp.bfloat16),
                preferred_element_type=jnp.float32)

    @pl.when(kc == 0)
    def _init():
        out_ref[...] = o

    @pl.when(kc != 0)
    def _acc():
        out_ref[...] += o


def _shared_ffn(xr, S1, S2, S3, si):
    return pl.pallas_call(
        _shared_body,
        grid=(_NSKC,),
        in_specs=[
            pl.BlockSpec((T, D), lambda k: (0, 0)),
            pl.BlockSpec((1, D, _SKC), lambda k, _si=si: (_si, 0, k)),
            pl.BlockSpec((1, D, _SKC), lambda k, _si=si: (_si, 0, k)),
            pl.BlockSpec((1, _SKC, D), lambda k, _si=si: (_si, k, 0)),
        ],
        out_specs=pl.BlockSpec((T, D), lambda k: (0, 0)),
        out_shape=jax.ShapeDtypeStruct((T, D), jnp.float32),
        scratch_shapes=[pltpu.VMEM((T, D), jnp.bfloat16)],
    )(xr, S1, S2, S3)


_AM = 512
_NAM = T // _AM


def _assemble_body(x_ref, sh_ref, sh2_ref, rp_ref, kept_ref, counts_ref,
                   out_ref, aux_ref):
    k = kept_ref[...]
    xx = x_ref[...]
    out_ref[...] = sh_ref[...] + sh2_ref[...] + k * rp_ref[...] + (1.0 - k) * xx

    @pl.when(pl.program_id(0) == 0)
    def _aux():
        mean = jnp.float32(0.0)
        for e in range(E):
            mean += counts_ref[0, e].astype(jnp.float32)
        mean = mean / E
        var = jnp.float32(0.0)
        for e in range(E):
            d = counts_ref[0, e].astype(jnp.float32) - mean
            var += d * d
        var = var / (E - 1)
        aux_ref[...] = jnp.full((1, 1), 0.01 * E * jnp.sqrt(var), jnp.float32)


def _assemble(xr, shared_out, shared_out2, routed_perm, kept, counts):
    return pl.pallas_call(
        _assemble_body,
        grid=(_NAM,),
        in_specs=[
            pl.BlockSpec((_AM, D), lambda m: (m, 0)),
            pl.BlockSpec((_AM, D), lambda m: (m, 0)),
            pl.BlockSpec((_AM, D), lambda m: (m, 0)),
            pl.BlockSpec((_AM, D), lambda m: (m, 0)),
            pl.BlockSpec((_AM, 1), lambda m: (m, 0)),
            pl.BlockSpec(memory_space=pltpu.SMEM),
        ],
        out_specs=[
            pl.BlockSpec((_AM, D), lambda m: (m, 0)),
            pl.BlockSpec((1, 1), lambda m: (0, 0)),
        ],
        out_shape=[
            jax.ShapeDtypeStruct((T, D), jnp.float32),
            jax.ShapeDtypeStruct((1, 1), jnp.float32),
        ],
    )(xr, shared_out, shared_out2, routed_perm, kept, counts)


def kernel(x, gate_w, W1, W2, W3, S1, S2, S3):
    xr = x.reshape(T, D)
    eidx = _router(xr, gate_w).reshape(T)
    shared_out = _shared_ffn(xr, S1, S2, S3, 0)
    gathered, slot, kept, counts = _routing_gather(eidx, xr)
    shared_out2 = _shared_ffn(xr, S1, S2, S3, 1)
    routed = _expert_ffn(gathered, W1, W2, W3)
    routed_perm = _perm(slot, routed)
    final, aux = _assemble(xr, shared_out, shared_out2, routed_perm,
                           kept.reshape(T, 1), counts.reshape(1, 16))
    return final.reshape(x.shape), aux.reshape(())

# --- scband reference (transcript-rebuilt; emitter-appended) ---
"""Pipeline reference for scband-expert-choice-mo-e-29643864277425 (READ-ONLY COPY).

The authoritative reference and input builder live on the scoring server;
editing this copy changes nothing except your own understanding.
"""

import jax, jax.numpy as jnp
import numpy as np

B = 1
S = 2048
D_MODEL = 1024
D_FF = 4096
E = 8
TOP_K = 1
CAP_F = 1.2
N_SHARED = 2
AUX_COEF = 0.01


def setup_inputs(seed: int = 0) -> dict:
    key = jax.random.key(seed)
    ks = jax.random.split(key, 8)
    x = jax.random.normal(ks[0], (B, S, D_MODEL), dtype=jnp.float32)
    gate_w = jax.random.normal(ks[1], (D_MODEL, E), dtype=jnp.float32) * 0.02
    W1 = jax.random.normal(ks[2], (E, D_MODEL, D_FF), dtype=jnp.float32) * 0.02
    W2 = jax.random.normal(ks[3], (E, D_MODEL, D_FF), dtype=jnp.float32) * 0.02
    W3 = jax.random.normal(ks[4], (E, D_FF, D_MODEL), dtype=jnp.float32) * 0.02
    S1 = jax.random.normal(ks[5], (N_SHARED, D_MODEL, D_FF // 2), dtype=jnp.float32) * 0.02
    S2 = jax.random.normal(ks[6], (N_SHARED, D_MODEL, D_FF // 2), dtype=jnp.float32) * 0.02
    S3 = jax.random.normal(ks[7], (N_SHARED, D_FF // 2, D_MODEL), dtype=jnp.float32) * 0.02
    return {"x": x, "gate_w": gate_w, "W1": W1, "W2": W2, "W3": W3, "S1": S1, "S2": S2, "S3": S3}


def reference(x, gate_w, W1, W2, W3, S1, S2, S3):
    Bs, Ss, D = x.shape
    T = Bs * Ss
    xr = x.reshape(T, D)
    # router (eval mode: no noise)
    router_logits = xr @ gate_w
    scores, idx = jax.lax.top_k(router_logits, TOP_K)
    probs = jax.nn.softmax(scores, axis=-1)
    capacity = int(T * CAP_F / E)
    final = jnp.zeros_like(xr)
    ar = jnp.arange(T)
    for e in range(E):
        match = (idx == e)                      # [T, TOP_K]
        mask = jnp.any(match, axis=-1)          # tokens routed to expert e
        pos = jnp.argmax(match, axis=-1)        # position within top-k row
        w = jnp.take_along_axis(probs, pos[:, None], axis=1)[:, 0]
        # ascending-token-id capacity truncation (matches torch.where ordering)
        rank = jnp.cumsum(mask.astype(jnp.int32)) - 1
        keep = mask & (rank < capacity)
        drop = mask & (rank >= capacity)
        skey = jnp.where(keep, ar, T)
        order = jnp.sort(skey)[:capacity]
        valid = order < T
        safe = jnp.where(valid, order, 0)
        toks = xr[safe]
        h = jax.nn.silu(toks @ W1[e]) * (toks @ W2[e])
        out = (h @ W3[e]) * w[safe][:, None] * valid[:, None].astype(xr.dtype)
        final = final.at[safe].add(out)
        # dropped tokens pass through as residual x
        final = final + drop[:, None].astype(xr.dtype) * xr
    for si in range(N_SHARED):
        h = jax.nn.silu(xr @ S1[si]) * (xr @ S2[si])
        final = final + h @ S3[si]
    load = jnp.sum((idx == jnp.arange(E)[None, :]).astype(jnp.float32), axis=0)
    aux_loss = AUX_COEF * jnp.std(load, ddof=1) * E
    return final.reshape(Bs, Ss, D), aux_loss

if __name__ == "__main__":
    import jax
    _d = setup_inputs()
    print(jax.jit(kernel)(*tuple(_d.values())))

</pallas_src>

<mosaic_0001>
#map = affine_map<(d0, d1) -> (0)>
#map1 = affine_map<(d0, d1) -> (0, 0)>
module attributes {stable_mosaic.version = 14 : i64} {
  func.func @_routing_body(%arg0: i32, %arg1: i32, %arg2: memref<2048xi32, #tpu.memory_space<hbm>>, %arg3: memref<2048x1024xf32, #tpu.memory_space<hbm>>, %arg4: memref<3072x1024xf32, #tpu.memory_space<hbm>>, %arg5: memref<2048xi32, #tpu.memory_space<hbm>>, %arg6: memref<2048xf32, #tpu.memory_space<hbm>>, %arg7: memref<16xi32, #tpu.memory_space<hbm>>, %arg8: memref<2048xi32, #tpu.memory_space<vmem>>, %arg9: memref<3072xi32, #tpu.memory_space<vmem>>, %arg10: memref<2048xi32, #tpu.memory_space<vmem>>, %arg11: memref<2048xf32, #tpu.memory_space<vmem>>, %arg12: memref<16xi32, #tpu.memory_space<vmem>>, %arg13: memref<3072xi32, #tpu.memory_space<vmem_shared>>, %arg14: memref<96xi32, #tpu.memory_space<vmem>>, %arg15: memref<96x1024xf32, #tpu.memory_space<vmem>>, %arg16: memref<!tpu.dma_semaphore, #tpu.memory_space<semaphore_mem>>) attributes {dimension_semantics = [#tpu.dimension_semantics<core_parallel>, #tpu.dimension_semantics<subcore_parallel>], iteration_bounds = array<i64: 2, 16>, scalar_prefetch = 0 : i64, scratch_operands = 9 : i64, tpu.core_type = #tpu.core_type<sc_vector_subcore>, window_params = [{transform_indices = #map}, {transform_indices = #map1}, {transform_indices = #map1}, {transform_indices = #map}, {transform_indices = #map}, {transform_indices = #map}]} {
    %mul3A = arith.constant 2 : i32
    %mul3A_0 = arith.muli %arg1, %mul3A : i32
    %add3A = arith.addi %mul3A_0, %arg0 : i32
    %eq3A = arith.constant 0 : i32
    %eq3A_1 = arith.cmpi eq, %arg1, %eq3A : i32
    %convert_element_type3A = arith.extui %eq3A_1 : i1 to i32
    %cond3A = arith.constant 0 : i32
    %cond3A_2 = arith.cmpi ne, %convert_element_type3A, %cond3A : i32
    scf.if %cond3A_2 {
      "tpu.region"() ({
        %run_scoped3A = tpu.sem_alloc : memref<!tpu.dma_semaphore, #tpu.memory_space<semaphore_mem>>
        tpu.enqueue_dma source(%arg2 : memref<2048xi32, #tpu.memory_space<hbm>>) target(%arg8 : memref<2048xi32, #tpu.memory_space<vmem>>) target_semaphore(%run_scoped3A : memref<!tpu.dma_semaphore, #tpu.memory_space<semaphore_mem>>)
        tpu.wait_dma2 semaphore(%run_scoped3A : memref<!tpu.dma_semaphore, #tpu.memory_space<semaphore_mem>>) src(%arg2 : memref<2048xi32, #tpu.memory_space<hbm>>) dst(%arg8 : memref<2048xi32, #tpu.memory_space<vmem>>)
        tpu.yield
      }) : () -> ()
      %broadcast_in_dim3A = arith.constant 0 : i32
      %broadcast_in_dim3A_9 = vector.broadcast %broadcast_in_dim3A : i32 to vector<16xi32>
      %swap3A = arith.constant 0 : index
      %swap3A_10 = tpu.vector_load %arg9[%swap3A] {strides = array<i32>} : memref<3072xi32, #tpu.memory_space<vmem>>, vector<16xi32>,
      tpu.vector_store %arg9[%swap3A], %broadcast_in_dim3A_9 {strides = array<i32>} : memref<3072xi32, #tpu.memory_space<vmem>>, vector<16xi32>,
      %swap3A_11 = arith.constant 16 : index
      %swap3A_12 = tpu.vector_load %arg9[%swap3A_11] {strides = array<i32>} : memref<3072xi32, #tpu.memory_space<vmem>>, vector<16xi32>,
      tpu.vector_store %arg9[%swap3A_11], %broadcast_in_dim3A_9 {strides = array<i32>} : memref<3072xi32, #tpu.memory_space<vmem>>, vector<16xi32>,
      %swap3A_13 = arith.constant 32 : index
      %swap3A_14 = tpu.vector_load %arg9[%swap3A_13] {strides = array<i32>} : memref<3072xi32, #tpu.memory_space<vmem>>, vector<16xi32>,
      tpu.vector_store %arg9[%swap3A_13], %broadcast_in_dim3A_9 {strides = array<i32>} : memref<3072xi32, #tpu.memory_space<vmem>>, vector<16xi32>,
      %swap3A_15 = arith.constant 48 : index
      %swap3A_16 = tpu.vector_load %arg9[%swap3A_15] {strides = array<i32>} : memref<3072xi32, #tpu.memory_space<vmem>>, vector<16xi32>,
      tpu.vector_store %arg9[%swap3A_15], %broadcast_in_dim3A_9 {strides = array<i32>} : memref<3072xi32, #tpu.memory_space<vmem>>, vector<16xi32>,
      %swap3A_17 = arith.constant 64 : index
      %swap3A_18 = tpu.vector_load %arg9[%swap3A_17] {strides = array<i32>} : memref<3072xi32, #tpu.memory_space<vmem>>, vector<16xi32>,
      tpu.vector_store %arg9[%swap3A_17], %broadcast_in_dim3A_9 {strides = array<i32>} : memref<3072xi32, #tpu.memory_space<vmem>>, vector<16xi32>,
      %swap3A_19 = arith.constant 80 : index
      %swap3A_20 = tpu.vector_load %arg9[%swap3A_19] {strides = array<i32>} : memref<3072xi32, #tpu.memory_space<vmem>>, vector<16xi32>,
      tpu.vector_store %arg9[%swap3A_19], %broadcast_in_dim3A_9 {strides = array<i32>} : memref<3072xi32, #tpu.memory_space<vmem>>, vector<16xi32>,
      %swap3A_21 = arith.constant 96 : index
      %swap3A_22 = tpu.vector_load %arg9[%swap3A_21] {strides = array<i32>} : memref<3072xi32, #tpu.memory_space<vmem>>, vector<16xi32>,
      tpu.vector_store %arg9[%swap3A_21], %broadcast_in_dim3A_9 {strides = array<i32>} : memref<3072xi32, #tpu.memory_space<vmem>>, vector<16xi32>,
      %swap3A_23 = arith.constant 112 : index
      %swap3A_24 = tpu.vector_load %arg9[%swap3A_23] {strides = array<i32>} : memref<3072xi32, #tpu.memory_space<vmem>>, vector<16xi32>,
      tpu.vector_store %arg9[%swap3A_23], %broadcast_in_dim3A_9 {strides = array<i32>} : memref<3072xi32, #tpu.memory_space<vmem>>, vector<16xi32>,
      %swap3A_25 = arith.constant 128 : index
      %swap3A_26 = tpu.vector_load %arg9[%swap3A_25] {strides = array<i32>} : memref<3072xi32, #tpu.memory_space<vmem>>, vector<16xi32>,
      tpu.vector_store %arg9[%swap3A_25], %broadcast_in_dim3A_9 {strides = array<i32>} : memref<3072xi32, #tpu.memory_space<vmem>>, vector<16xi32>,
      %swap3A_27 = arith.constant 144 : index
      %swap3A_28 = tpu.vector_load %arg9[%swap3A_27] {strides = array<i32>} : memref<3072xi32, #tpu.memory_space<vmem>>, vector<16xi32>,
      tpu.vector_store %arg9[%swap3A_27], %broadcast_in_dim3A_9 {strides = array<i32>} : memref<3072xi32, #tpu.memory_space<vmem>>, vector<16xi32>,
      %swap3A_29 = arith.constant 160 : index
      %swap3A_30 = tpu.vector_load %arg9[%swap3A_29] {strides = array<i32>} : memref<3072xi32, #tpu.memory_space<vmem>>, vector<16xi32>,
      tpu.vector_store %arg9[%swap3A_29], %broadcast_in_dim3A_9 {strides = array<i32>} : memref<3072xi32, #tpu.memory_space<vmem>>, vector<16xi32>,
      %swap3A_31 = arith.constant 176 : index
      %swap3A_32 = tpu.vector_load %arg9[%swap3A_31] {strides = array<i32>} : memref<3072xi32, #tpu.memory_space<vmem>>, vector<16xi32>,
      tpu.vector_store %arg9[%swap3A_31], %broadcast_in_dim3A_9 {strides = array<i32>} : memref<3072xi32, #tpu.memory_space<vmem>>, vector<16xi32>,
      %swap3A_33 = arith.constant 192 : index
      %swap3A_34 = tpu.vector_load %arg9[%swap3A_33] {strides = array<i32>} : memref<3072xi32, #tpu.memory_space<vmem>>, vector<16xi32>,
      tpu.vector_store %arg9[%swap3A_33], %broadcast_in_dim3A_9 {strides = array<i32>} : memref<3072xi32, #tpu.memory_space<vmem>>, vector<16xi32>,
      %swap3A_35 = arith.constant 208 : index
      %swap3A_36 = tpu.vector_load %arg9[%swap3A_35] {strides = array<i32>} : memref<3072xi32, #tpu.memory_space<vmem>>, vector<16xi32>,
      tpu.vector_store %arg9[%swap3A_35], %broadcast_in_dim3A_9 {strides = array<i32>} : memref<3072xi32, #tpu.memory_space<vmem>>, vector<16xi32>,
      %swap3A_37 = arith.constant 224 : index
      %swap3A_38 = tpu.vector_load %arg9[%swap3A_37] {strides = array<i32>} : memref<3072xi32, #tpu.memory_space<vmem>>, vector<16xi32>,
      tpu.vector_store %arg9[%swap3A_37], %broadcast_in_dim3A_9 {strides = array<i32>} : memref<3072xi32, #tpu.memory_space<vmem>>, vector<16xi32>,
      %swap3A_39 = arith.constant 240 : index
      %swap3A_40 = tpu.vector_load %arg9[%swap3A_39] {strides = array<i32>} : memref<3072xi32, #tpu.memory_space<vmem>>, vector<16xi32>,
      tpu.vector_store %arg9[%swap3A_39], %broadcast_in_dim3A_9 {strides = array<i32>} : memref<3072xi32, #tpu.memory_space<vmem>>, vector<16xi32>,
      %swap3A_41 = arith.constant 256 : index
      %swap3A_42 = tpu.vector_load %arg9[%swap3A_41] {strides = array<i32>} : memref<3072xi32, #tpu.memory_space<vmem>>, vector<16xi32>,
      tpu.vector_store %arg9[%swap3A_41], %broadcast_in_dim3A_9 {strides = array<i32>} : memref<3072xi32, #tpu.memory_space<vmem>>, vector<16xi32>,
      %swap3A_43 = arith.constant 272 : index
      %swap3A_44 = tpu.vector_load %arg9[%swap3A_43] {strides = array<i32>} : memref<3072xi32, #tpu.memory_space<vmem>>, vector<16xi32>,
      tpu.vector_store %arg9[%swap3A_43], %broadcast_in_dim3A_9 {strides = array<i32>} : memref<3072xi32, #tpu.memory_space<vmem>>, vector<16xi32>,
      %swap3A_45 = arith.constant 288 : index
      %swap3A_46 = tpu.vector_load %arg9[%swap3A_45] {strides = array<i32>} : memref<3072xi32, #tpu.memory_space<vmem>>, vector<16xi32>,
      tpu.vector_store %arg9[%swap3A_45], %broadcast_in_dim3A_9 {strides = array<i32>} : memref<3072xi32, #tpu.memory_space<vmem>>, vector<16xi32>,
      %swap3A_47 = arith.constant 304 : index
      %swap3A_48 = tpu.vector_load %arg9[%swap3A_47] {strides = array<i32>} : memref<3072xi32, #tpu.memory_space<vmem>>, vector<16xi32>,
      tpu.vector_store %arg9[%swap3A_47], %broadcast_in_dim3A_9 {strides = array<i32>} : memref<3072xi32, #tpu.memory_space<vmem>>, vector<16xi32>,
      %swap3A_49 = arith.constant 320 : index
      %swap3A_50 = tpu.vector_load %arg9[%swap3A_49] {strides = array<i32>} : memref<3072xi32, #tpu.memory_space<vmem>>, vector<16xi32>,
      tpu.vector_store %arg9[%swap3A_49], %broadcast_in_dim3A_9 {strides = array<i32>} : memref<3072xi32, #tpu.memory_space<vmem>>, vector<16xi32>,
      %swap3A_51 = arith.constant 336 : index
      %swap3A_52 = tpu.vector_load %arg9[%swap3A_51] {strides = array<i32>} : memref<3072xi32, #tpu.memory_space<vmem>>, vector<16xi32>,
      tpu.vector_store %arg9[%swap3A_51], %broadcast_in_dim3A_9 {strides = array<i32>} : memref<3072xi32, #tpu.memory_space<vmem>>, vector<16xi32>,
      %swap3A_53 = arith.constant 352 : index
      %swap3A_54 = tpu.vector_load %arg9[%swap3A_53] {strides = array<i32>} : memref<3072xi32, #tpu.memory_space<vmem>>, vector<16xi32>,
      tpu.vector_store %arg9[%swap3A_53], %broadcast_in_dim3A_9 {strides = array<i32>} : memref<3072xi32, #tpu.memory_space<vmem>>, vector<16xi32>,
      %swap3A_55 = arith.constant 368 : index
      %swap3A_56 = tpu.vector_load %arg9[%swap3A_55] {strides = array<i32>} : memref<3072xi32, #tpu.memory_space<vmem>>, vector<16xi32>,
      tpu.vector_store %arg9[%swap3A_55], %broadcast_in_dim3A_9 {strides = array<i32>} : memref<3072xi32, #tpu.memory_space<vmem>>, vector<16xi32>,
      %swap3A_57 = arith.constant 384 : index
      %swap3A_58 = tpu.vector_load %arg9[%swap3A_57] {strides = array<i32>} : memref<3072xi32, #tpu.memory_space<vmem>>, vector<16xi32>,
      tpu.vector_store %arg9[%swap3A_57], %broadcast_in_dim3A_9 {strides = array<i32>} : memref<3072xi32, #tpu.memory_space<vmem>>, vector<16xi32>,
      %swap3A_59 = arith.constant 400 : index
      %swap3A_60 = tpu.vector_load %arg9[%swap3A_59] {strides = array<i32>} : memref<3072xi32, #tpu.memory_space<vmem>>, vector<16xi32>,
      tpu.vector_store %arg9[%swap3A_59], %broadcast_in_dim3A_9 {strides = array<i32>} : memref<3072xi32, #tpu.memory_space<vmem>>, vector<16xi32>,
      %swap3A_61 = arith.constant 416 : index
      %swap3A_62 = tpu.vector_load %arg9[%swap3A_61] {strides = array<i32>} : memref<3072xi32, #tpu.memory_space<vmem>>, vector<16xi32>,
      tpu.vector_store %arg9[%swap3A_61], %broadcast_in_dim3A_9 {strides = array<i32>} : memref<3072xi32, #tpu.memory_space<vmem>>, vector<16xi32>,
      %swap3A_63 = arith.constant 432 : index
      %swap3A_64 = tpu.vector_load %arg9[%swap3A_63] {strides = array<i32>} : memref<3072xi32, #tpu.memory_space<vmem>>, vector<16xi32>,
      tpu.vector_store %arg9[%swap3A_63], %broadcast_in_dim3A_9 {strides = array<i32>} : memref<3072xi32, #tpu.memory_space<vmem>>, vector<16xi32>,
      %swap3A_65 = arith.constant 448 : index
      %swap3A_66 = tpu.vector_load %arg9[%swap3A_65] {strides = array<i32>} : memref<3072xi32, #tpu.memory_space<vmem>>, vector<16xi32>,
      tpu.vector_store %arg9[%swap3A_65], %broadcast_in_dim3A_9 {strides = array<i32>} : memref<3072xi32, #tpu.memory_space<vmem>>, vector<16xi32>,
      %swap3A_67 = arith.constant 464 : index
      %swap3A_68 = tpu.vector_load %arg9[%swap3A_67] {strides = array<i32>} : memref<3072xi32, #tpu.memory_space<vmem>>, vector<16xi32>,
      tpu.vector_store %arg9[%swap3A_67], %broadcast_in_dim3A_9 {strides = array<i32>} : memref<3072xi32, #tpu.memory_space<vmem>>, vector<16xi32>,
      %swap3A_69 = arith.constant 480 : index
      %swap3A_70 = tpu.vector_load %arg9[%swap3A_69] {strides = array<i32>} : memref<3072xi32, #tpu.memory_space<vmem>>, vector<16xi32>,
      tpu.vector_store %arg9[%swap3A_69], %broadcast_in_dim3A_9 {strides = array<i32>} : memref<3072xi32, #tpu.memory_space<vmem>>, vector<16xi32>,
      %swap3A_71 = arith.constant 496 : index
      %swap3A_72 = tpu.vector_load %arg9[%swap3A_71] {strides = array<i32>} : memref<3072xi32, #tpu.memory_space<vmem>>, vector<16xi32>,
      tpu.vector_store %arg9[%swap3A_71], %broadcast_in_dim3A_9 {strides = array<i32>} : memref<3072xi32, #tpu.memory_space<vmem>>, vector<16xi32>,
      %swap3A_73 = arith.constant 512 : index
      %swap3A_74 = tpu.vector_load %arg9[%swap3A_73] {strides = array<i32>} : memref<3072xi32, #tpu.memory_space<vmem>>, vector<16xi32>,
      tpu.vector_store %arg9[%swap3A_73], %broadcast_in_dim3A_9 {strides = array<i32>} : memref<3072xi32, #tpu.memory_space<vmem>>, vector<16xi32>,
      %swap3A_75 = arith.constant 528 : index
      %swap3A_76 = tpu.vector_load %arg9[%swap3A_75] {strides = array<i32>} : memref<3072xi32, #tpu.memory_space<vmem>>, vector<16xi32>,
      tpu.vector_store %arg9[%swap3A_75], %broadcast_in_dim3A_9 {strides = array<i32>} : memref<3072xi32, #tpu.memory_space<vmem>>, vector<16xi32>,
      %swap3A_77 = arith.constant 544 : index
      %swap3A_78 = tpu.vector_load %arg9[%swap3A_77] {strides = array<i32>} : memref<3072xi32, #tpu.memory_space<vmem>>, vector<16xi32>,
      tpu.vector_store %arg9[%swap3A_77], %broadcast_in_dim3A_9 {strides = array<i32>} : memref<3072xi32, #tpu.memory_space<vmem>>, vector<16xi32>,
      %swap3A_79 = arith.constant 560 : index
      %swap3A_80 = tpu.vector_load %arg9[%swap3A_79] {strides = array<i32>} : memref<3072xi32, #tpu.memory_space<vmem>>, vector<16xi32>,
      tpu.vector_store %arg9[%swap3A_79], %broadcast_in_dim3A_9 {strides = array<i32>} : memref<3072xi32, #tpu.memory_space<vmem>>, vector<16xi32>,
      %swap3A_81 = arith.constant 576 : index
      %swap3A_82 = tpu.vector_load %arg9[%swap3A_81] {strides = array<i32>} : memref<3072xi32, #tpu.memory_space<vmem>>, vector<16xi32>,
      tpu.vector_store %arg9[%swap3A_81], %broadcast_in_dim3A_9 {strides = array<i32>} : memref<3072xi32, #tpu.memory_space<vmem>>, vector<16xi32>,
      %swap3A_83 = arith.constant 592 : index
      %swap3A_84 = tpu.vector_load %arg9[%swap3A_83] {strides = array<i32>} : memref<3072xi32, #tpu.memory_space<vmem>>, vector<16xi32>,
      tpu.vector_store %arg9[%swap3A_83], %broadcast_in_dim3A_9 {strides = array<i32>} : memref<3072xi32, #tpu.memory_space<vmem>>, vector<16xi32>,
      %swap3A_85 = arith.constant 608 : index
      %swap3A_86 = tpu.vector_load %arg9[%swap3A_85] {strides = array<i32>} : memref<3072xi32, #tpu.memory_space<vmem>>, vector<16xi32>,
      tpu.vector_store %arg9[%swap3A_85], %broadcast_in_dim3A_9 {strides = array<i32>} : memref<3072xi32, #tpu.memory_space<vmem>>, vector<16xi32>,
      %swap3A_87 = arith.constant 624 : index
      %swap3A_88 = tpu.vector_load %arg9[%swap3A_87] {strides = array<i32>} : memref<3072xi32, #tpu.memory_space<vmem>>, vector<16xi32>,
      tpu.vector_store %arg9[%swap3A_87], %broadcast_in_dim3A_9 {strides = array<i32>} : memref<3072xi32, #tpu.memory_space<vmem>>, vector<16xi32>,
      %swap3A_89 = arith.constant 640 : index
      %swap3A_90 = tpu.vector_load %arg9[%swap3A_89] {strides = array<i32>} : memref<3072xi32, #tpu.memory_space<vmem>>, vector<16xi32>,
      tpu.vector_store %arg9[%swap3A_89], %broadcast_in_dim3A_9 {strides = array<i32>} : memref<3072xi32, #tpu.memory_space<vmem>>, vector<16xi32>,
      %swap3A_91 = arith.constant 656 : index
      %swap3A_92 = tpu.vector_load %arg9[%swap3A_91] {strides = array<i32>} : memref<3072xi32, #tpu.memory_space<vmem>>, vector<16xi32>,
      tpu.vector_store %arg9[%swap3A_91], %broadcast_in_dim3A_9 {strides = array<i32>} : memref<3072xi32, #tpu.memory_space<vmem>>, vector<16xi32>,
      %swap3A_93 = arith.constant 672 : index
      %swap3A_94 = tpu.vector_load %arg9[%swap3A_93] {strides = array<i32>} : memref<3072xi32, #tpu.memory_space<vmem>>, vector<16xi32>,
      tpu.vector_store %arg9[%swap3A_93], %broadcast_in_dim3A_9 {strides = array<i32>} : memref<3072xi32, #tpu.memory_space<vmem>>, vector<16xi32>,
      %swap3A_95 = arith.constant 688 : index
      %swap3A_96 = tpu.vector_load %arg9[%swap3A_95] {strides = array<i32>} : memref<3072xi32, #tpu.memory_space<vmem>>, vector<16xi32>,
      tpu.vector_store %arg9[%swap3A_95], %broadcast_in_dim3A_9 {strides = array<i32>} : memref<3072xi32, #tpu.memory_space<vmem>>, vector<16xi32>,
      %swap3A_97 = arith.constant 704 : index
      %swap3A_98 = tpu.vector_load %arg9[%swap3A_97] {strides = array<i32>} : memref<3072xi32, #tpu.memory_space<vmem>>, vector<16xi32>,
      tpu.vector_store %arg9[%swap3A_97], %broadcast_in_dim3A_9 {strides = array<i32>} : memref<3072xi32, #tpu.memory_space<vmem>>, vector<16xi32>,
      %swap3A_99 = arith.constant 720 : index
      %swap3A_100 = tpu.vector_load %arg9[%swap3A_99] {strides = array<i32>} : memref<3072xi32, #tpu.memory_space<vmem>>, vector<16xi32>,
      tpu.vector_store %arg9[%swap3A_99], %broadcast_in_dim3A_9 {strides = array<i32>} : memref<3072xi32, #tpu.memory_space<vmem>>, vector<16xi32>,
      %swap3A_101 = arith.constant 736 : index
      %swap3A_102 = tpu.vector_load %arg9[%swap3A_101] {strides = array<i32>} : memref<3072xi32, #tpu.memory_space<vmem>>, vector<16xi32>,
      tpu.vector_store %arg9[%swap3A_101], %broadcast_in_dim3A_9 {strides = array<i32>} : memref<3072xi32, #tpu.memory_space<vmem>>, vector<16xi32>,
      %swap3A_103 = arith.constant 752 : index
      %swap3A_104 = tpu.vector_load %arg9[%swap3A_103] {strides = array<i32>} : memref<3072xi32, #tpu.memory_space<vmem>>, vector<16xi32>,
      tpu.vector_store %arg9[%swap3A_103], %broadcast_in_dim3A_9 {strides = array<i32>} : memref<3072xi32, #tpu.memory_space<vmem>>, vector<16xi32>,
      %swap3A_105 = arith.constant 768 : index
      %swap3A_106 = tpu.vector_load %arg9[%swap3A_105] {strides = array<i32>} : memref<3072xi32, #tpu.memory_space<vmem>>, vector<16xi32>,
      tpu.vector_store %arg9[%swap3A_105], %broadcast_in_dim3A_9 {strides = array<i32>} : memref<3072xi32, #tpu.memory_space<vmem>>, vector<16xi32>,
      %swap3A_107 = arith.constant 784 : index
      %swap3A_108 = tpu.vector_load %arg9[%swap3A_107] {strides = array<i32>} : memref<3072xi32, #tpu.memory_space<vmem>>, vector<16xi32>,
      tpu.vector_store %arg9[%swap3A_107], %broadcast_in_dim3A_9 {strides = array<i32>} : memref<3072xi32, #tpu.memory_space<vmem>>, vector<16xi32>,
      %swap3A_109 = arith.constant 800 : index
      %swap3A_110 = tpu.vector_load %arg9[%swap3A_109] {strides = array<i32>} : memref<3072xi32, #tpu.memory_space<vmem>>, vector<16xi32>,
      tpu.vector_store %arg9[%swap3A_109], %broadcast_in_dim3A_9 {strides = array<i32>} : memref<3072xi32, #tpu.memory_space<vmem>>, vector<16xi32>,
      %swap3A_111 = arith.constant 816 : index
      %swap3A_112 = tpu.vector_load %arg9[%swap3A_111] {strides = array<i32>} : memref<3072xi32, #tpu.memory_space<vmem>>, vector<16xi32>,
      tpu.vector_store %arg9[%swap3A_111], %broadcast_in_dim3A_9 {strides = array<i32>} : memref<3072xi32, #tpu.memory_space<vmem>>, vector<16xi32>,
      %swap3A_113 = arith.constant 832 : index
      %swap3A_114 = tpu.vector_load %arg9[%swap3A_113] {strides = array<i32>} : memref<3072xi32, #tpu.memory_space<vmem>>, vector<16xi32>,
      tpu.vector_store %arg9[%swap3A_113], %broadcast_in_dim3A_9 {strides = array<i32>} : memref<3072xi32, #tpu.memory_space<vmem>>, vector<16xi32>,
      %swap3A_115 = arith.constant 848 : index
      %swap3A_116 = tpu.vector_load %arg9[%swap3A_115] {strides = array<i32>} : memref<3072xi32, #tpu.memory_space<vmem>>, vector<16xi32>,
      tpu.vector_store %arg9[%swap3A_115], %broadcast_in_dim3A_9 {strides = array<i32>} : memref<3072xi32, #tpu.memory_space<vmem>>, vector<16xi32>,
      %swap3A_117 = arith.constant 864 : index
      %swap3A_118 = tpu.vector_load %arg9[%swap3A_117] {strides = array<i32>} : memref<3072xi32, #tpu.memory_space<vmem>>, vector<16xi32>,
      tpu.vector_store %arg9[%swap3A_117], %broadcast_in_dim3A_9 {strides = array<i32>} : memref<3072xi32, #tpu.memory_space<vmem>>, vector<16xi32>,
      %swap3A_119 = arith.constant 880 : index
      %swap3A_120 = tpu.vector_load %arg9[%swap3A_119] {strides = array<i32>} : memref<3072xi32, #tpu.memory_space<vmem>>, vector<16xi32>,
      tpu.vector_store %arg9[%swap3A_119], %broadcast_in_dim3A_9 {strides = array<i32>} : memref<3072xi32, #tpu.memory_space<vmem>>, vector<16xi32>,
      %swap3A_121 = arith.constant 896 : index
      %swap3A_122 = tpu.vector_load %arg9[%swap3A_121] {strides = array<i32>} : memref<3072xi32, #tpu.memory_space<vmem>>, vector<16xi32>,
      tpu.vector_store %arg9[%swap3A_121], %broadcast_in_dim3A_9 {strides = array<i32>} : memref<3072xi32, #tpu.memory_space<vmem>>, vector<16xi32>,
      %swap3A_123 = arith.constant 912 : index
      %swap3A_124 = tpu.vector_load %arg9[%swap3A_123] {strides = array<i32>} : memref<3072xi32, #tpu.memory_space<vmem>>, vector<16xi32>,
      tpu.vector_store %arg9[%swap3A_123], %broadcast_in_dim3A_9 {strides = array<i32>} : memref<3072xi32, #tpu.memory_space<vmem>>, vector<16xi32>,
      %swap3A_125 = arith.constant 928 : index
      %swap3A_126 = tpu.vector_load %arg9[%swap3A_125] {strides = array<i32>} : memref<3072xi32, #tpu.memory_space<vmem>>, vector<16xi32>,
      tpu.vector_store %arg9[%swap3A_125], %broadcast_in_dim3A_9 {strides = array<i32>} : memref<3072xi32, #tpu.memory_space<vmem>>, vector<16xi32>,
      %swap3A_127 = arith.constant 944 : index
      %swap3A_128 = tpu.vector_load %arg9[%swap3A_127] {strides = array<i32>} : memref<3072xi32, #tpu.memory_space<vmem>>, vector<16xi32>,
      tpu.vector_store %arg9[%swap3A_127], %broadcast_in_dim3A_9 {strides = array<i32>} : memref<3072xi32, #tpu.memory_space<vmem>>, vector<16xi32>,
      %swap3A_129 = arith.constant 960 : index
      %swap3A_130 = tpu.vector_load %arg9[%swap3A_129] {strides = array<i32>} : memref<3072xi32, #tpu.memory_space<vmem>>, vector<16xi32>,
      tpu.vector_store %arg9[%swap3A_129], %broadcast_in_dim3A_9 {strides = array<i32>} : memref<3072xi32, #tpu.memory_space<vmem>>, vector<16xi32>,
      %swap3A_131 = arith.constant 976 : index
      %swap3A_132 = tpu.vector_load %arg9[%swap3A_131] {strides = array<i32>} : memref<3072xi32, #tpu.memory_space<vmem>>, vector<16xi32>,
      tpu.vector_store %arg9[%swap3A_131], %broadcast_in_dim3A_9 {strides = array<i32>} : memref<3072xi32, #tpu.memory_space<vmem>>, vector<16xi32>,
      %swap3A_133 = arith.constant 992 : index
      %swap3A_134 = tpu.vector_load %arg9[%swap3A_133] {strides = array<i32>} : memref<3072xi32, #tpu.memory_space<vmem>>, vector<16xi32>,
      tpu.vector_store %arg9[%swap3A_133], %broadcast_in_dim3A_9 {strides = array<i32>} : memref<3072xi32, #tpu.memory_space<vmem>>, vector<16xi32>,
      %swap3A_135 = arith.constant 1008 : index
      %swap3A_136 = tpu.vector_load %arg9[%swap3A_135] {strides = array<i32>} : memref<3072xi32, #tpu.memory_space<vmem>>, vector<16xi32>,
      tpu.vector_store %arg9[%swap3A_135], %broadcast_in_dim3A_9 {strides = array<i32>} : memref<3072xi32, #tpu.memory_space<vmem>>, vector<16xi32>,
      %swap3A_137 = arith.constant 1024 : index
      %swap3A_138 = tpu.vector_load %arg9[%swap3A_137] {strides = array<i32>} : memref<3072xi32, #tpu.memory_space<vmem>>, vector<16xi32>,
      tpu.vector_store %arg9[%swap3A_137], %broadcast_in_dim3A_9 {strides = array<i32>} : memref<3072xi32, #tpu.memory_space<vmem>>, vector<16xi32>,
      %swap3A_139 = arith.constant 1040 : index
      %swap3A_140 = tpu.vector_load %arg9[%swap3A_139] {strides = array<i32>} : memref<3072xi32, #tpu.memory_space<vmem>>, vector<16xi32>,
      tpu.vector_store %arg9[%swap3A_139], %broadcast_in_dim3A_9 {strides = array<i32>} : memref<3072xi32, #tpu.memory_space<vmem>>, vector<16xi32>,
      %swap3A_141 = arith.constant 1056 : index
      %swap3A_142 = tpu.vector_load %arg9[%swap3A_141] {strides = array<i32>} : memref<3072xi32, #tpu.memory_space<vmem>>, vector<16xi32>,
      tpu.vector_store %arg9[%swap3A_141], %broadcast_in_dim3A_9 {strides = array<i32>} : memref<3072xi32, #tpu.memory_space<vmem>>, vector<16xi32>,
      %swap3A_143 = arith.constant 1072 : index
      %swap3A_144 = tpu.vector_load %arg9[%swap3A_143] {strides = array<i32>} : memref<3072xi32, #tpu.memory_space<vmem>>, vector<16xi32>,
      tpu.vector_store %arg9[%swap3A_143], %broadcast_in_dim3A_9 {strides = array<i32>} : memref<3072xi32, #tpu.memory_space<vmem>>, vector<16xi32>,
      %swap3A_145 = arith.constant 1088 : index
      %swap3A_146 = tpu.vector_load %arg9[%swap3A_145] {strides = array<i32>} : memref<3072xi32, #tpu.memory_space<vmem>>, vector<16xi32>,
      tpu.vector_store %arg9[%swap3A_145], %broadcast_in_dim3A_9 {strides = array<i32>} : memref<3072xi32, #tpu.memory_space<vmem>>, vector<16xi32>,
      %swap3A_147 = arith.constant 1104 : index
      %swap3A_148 = tpu.vector_load %arg9[%swap3A_147] {strides = array<i32>} : memref<3072xi32, #tpu.memory_space<vmem>>, vector<16xi32>,
      tpu.vector_store %arg9[%swap3A_147], %broadcast_in_dim3A_9 {strides = array<i32>} : memref<3072xi32, #tpu.memory_space<vmem>>, vector<16xi32>,
      %swap3A_149 = arith.constant 1120 : index
      %swap3A_150 = tpu.vector_load %arg9[%swap3A_149] {strides = array<i32>} : memref<3072xi32, #tpu.memory_space<vmem>>, vector<16xi32>,
      tpu.vector_store %arg9[%swap3A_149], %broadcast_in_dim3A_9 {strides = array<i32>} : memref<3072xi32, #tpu.memory_space<vmem>>, vector<16xi32>,
      %swap3A_151 = arith.constant 1136 : index
      %swap3A_152 = tpu.vector_load %arg9[%swap3A_151] {strides = array<i32>} : memref<3072xi32, #tpu.memory_space<vmem>>, vector<16xi32>,
      tpu.vector_store %arg9[%swap3A_151], %broadcast_in_dim3A_9 {strides = array<i32>} : memref<3072xi32, #tpu.memory_space<vmem>>, vector<16xi32>,
      %swap3A_153 = arith.constant 1152 : index
      %swap3A_154 = tpu.vector_load %arg9[%swap3A_153] {strides = array<i32>} : memref<3072xi32, #tpu.memory_space<vmem>>, vector<16xi32>,
      tpu.vector_store %arg9[%swap3A_153], %broadcast_in_dim3A_9 {strides = array<i32>} : memref<3072xi32, #tpu.memory_space<vmem>>, vector<16xi32>,
      %swap3A_155 = arith.constant 1168 : index
      %swap3A_156 = tpu.vector_load %arg9[%swap3A_155] {strides = array<i32>} : memref<3072xi32, #tpu.memory_space<vmem>>, vector<16xi32>,
      tpu.vector_store %arg9[%swap3A_155], %broadcast_in_dim3A_9 {strides = array<i32>} : memref<3072xi32, #tpu.memory_space<vmem>>, vector<16xi32>,
      %swap3A_157 = arith.constant 1184 : index
      %swap3A_158 = tpu.vector_load %arg9[%swap3A_157] {strides = array<i32>} : memref<3072xi32, #tpu.memory_space<vmem>>, vector<16xi32>,
      tpu.vector_store %arg9[%swap3A_157], %broadcast_in_dim3A_9 {strides = array<i32>} : memref<3072xi32, #tpu.memory_space<vmem>>, vector<16xi32>,
      %swap3A_159 = arith.constant 1200 : index
      %swap3A_160 = tpu.vector_load %arg9[%swap3A_159] {strides = array<i32>} : memref<3072xi32, #tpu.memory_space<vmem>>, vector<16xi32>,
      tpu.vector_store %arg9[%swap3A_159], %broadcast_in_dim3A_9 {strides = array<i32>} : memref<3072xi32, #tpu.memory_space<vmem>>, vector<16xi32>,
      %swap3A_161 = arith.constant 1216 : index
      %swap3A_162 = tpu.vector_load %arg9[%swap3A_161] {strides = array<i32>} : memref<3072xi32, #tpu.memory_space<vmem>>, vector<16xi32>,
      tpu.vector_store %arg9[%swap3A_161], %broadcast_in_dim3A_9 {strides = array<i32>} : memref<3072xi32, #tpu.memory_space<vmem>>, vector<16xi32>,
      %swap3A_163 = arith.constant 1232 : index
      %swap3A_164 = tpu.vector_load %arg9[%swap3A_163] {strides = array<i32>} : memref<3072xi32, #tpu.memory_space<vmem>>, vector<16xi32>,
      tpu.vector_store %arg9[%swap3A_163], %broadcast_in_dim3A_9 {strides = array<i32>} : memref<3072xi32, #tpu.memory_space<vmem>>, vector<16xi32>,
      %swap3A_165 = arith.constant 1248 : index
      %swap3A_166 = tpu.vector_load %arg9[%swap3A_165] {strides = array<i32>} : memref<3072xi32, #tpu.memory_space<vmem>>, vector<16xi32>,
      tpu.vector_store %arg9[%swap3A_165], %broadcast_in_dim3A_9 {strides = array<i32>} : memref<3072xi32, #tpu.memory_space<vmem>>, vector<16xi32>,
      %swap3A_167 = arith.constant 1264 : index
      %swap3A_168 = tpu.vector_load %arg9[%swap3A_167] {strides = array<i32>} : memref<3072xi32, #tpu.memory_space<vmem>>, vector<16xi32>,
      tpu.vector_store %arg9[%swap3A_167], %broadcast_in_dim3A_9 {strides = array<i32>} : memref<3072xi32, #tpu.memory_space<vmem>>, vector<16xi32>,
      %swap3A_169 = arith.constant 1280 : index
      %swap3A_170 = tpu.vector_load %arg9[%swap3A_169] {strides = array<i32>} : memref<3072xi32, #tpu.memory_space<vmem>>, vector<16xi32>,
      tpu.vector_store %arg9[%swap3A_169], %broadcast_in_dim3A_9 {strides = array<i32>} : memref<3072xi32, #tpu.memory_space<vmem>>, vector<16xi32>,
      %swap3A_171 = arith.constant 1296 : index
      %swap3A_172 = tpu.vector_load %arg9[%swap3A_171] {strides = array<i32>} : memref<3072xi32, #tpu.memory_space<vmem>>, vector<16xi32>,
      tpu.vector_store %arg9[%swap3A_171], %broadcast_in_dim3A_9 {strides = array<i32>} : memref<3072xi32, #tpu.memory_space<vmem>>, vector<16xi32>,
      %swap3A_173 = arith.constant 1312 : index
      %swap3A_174 = tpu.vector_load %arg9[%swap3A_173] {strides = array<i32>} : memref<3072xi32, #tpu.memory_space<vmem>>, vector<16xi32>,
      tpu.vector_store %arg9[%swap3A_173], %broadcast_in_dim3A_9 {strides = array<i32>} : memref<3072xi32, #tpu.memory_space<vmem>>, vector<16xi32>,
      %swap3A_175 = arith.constant 1328 : index
      %swap3A_176 = tpu.vector_load %arg9[%swap3A_175] {strides = array<i32>} : memref<3072xi32, #tpu.memory_space<vmem>>, vector<16xi32>,
      tpu.vector_store %arg9[%swap3A_175], %broadcast_in_dim3A_9 {strides = array<i32>} : memref<3072xi32, #tpu.memory_space<vmem>>, vector<16xi32>,
      %swap3A_177 = arith.constant 1344 : index
      %swap3A_178 = tpu.vector_load %arg9[%swap3A_177] {strides = array<i32>} : memref<3072xi32, #tpu.memory_space<vmem>>, vector<16xi32>,
      tpu.vector_store %arg9[%swap3A_177], %broadcast_in_dim3A_9 {strides = array<i32>} : memref<3072xi32, #tpu.memory_space<vmem>>, vector<16xi32>,
      %swap3A_179 = arith.constant 1360 : index
      %swap3A_180 = tpu.vector_load %arg9[%swap3A_179] {strides = array<i32>} : memref<3072xi32, #tpu.memory_space<vmem>>, vector<16xi32>,
      tpu.vector_store %arg9[%swap3A_179], %broadcast_in_dim3A_9 {strides = array<i32>} : memref<3072xi32, #tpu.memory_space<vmem>>, vector<16xi32>,
      %swap3A_181 = arith.constant 1376 : index
      %swap3A_182 = tpu.vector_load %arg9[%swap3A_181] {strides = array<i32>} : memref<3072xi32, #tpu.memory_space<vmem>>, vector<16xi32>,
      tpu.vector_store %arg9[%swap3A_181], %broadcast_in_dim3A_9 {strides = array<i32>} : memref<3072xi32, #tpu.memory_space<vmem>>, vector<16xi32>,
      %swap3A_183 = arith.constant 1392 : index
      %swap3A_184 = tpu.vector_load %arg9[%swap3A_183] {strides = array<i32>} : memref<3072xi32, #tpu.memory_space<vmem>>, vector<16xi32>,
      tpu.vector_store %arg9[%swap3A_183], %broadcast_in_dim3A_9 {strides = array<i32>} : memref<3072xi32, #tpu.memory_space<vmem>>, vector<16xi32>,
      %swap3A_185 = arith.constant 1408 : index
      %swap3A_186 = tpu.vector_load %arg9[%swap3A_185] {strides = array<i32>} : memref<3072xi32, #tpu.memory_space<vmem>>, vector<16xi32>,
      tpu.vector_store %arg9[%swap3A_185], %broadcast_in_dim3A_9 {strides = array<i32>} : memref<3072xi32, #tpu.memory_space<vmem>>, vector<16xi32>,
      %swap3A_187 = arith.constant 1424 : index
      %swap3A_188 = tpu.vector_load %arg9[%swap3A_187] {strides = array<i32>} : memref<3072xi32, #tpu.memory_space<vmem>>, vector<16xi32>,
      tpu.vector_store %arg9[%swap3A_187], %broadcast_in_dim3A_9 {strides = array<i32>} : memref<3072xi32, #tpu.memory_space<vmem>>, vector<16xi32>,
      %swap3A_189 = arith.constant 1440 : index
      %swap3A_190 = tpu.vector_load %arg9[%swap3A_189] {strides = array<i32>} : memref<3072xi32, #tpu.memory_space<vmem>>, vector<16xi32>,
      tpu.vector_store %arg9[%swap3A_189], %broadcast_in_dim3A_9 {strides = array<i32>} : memref<3072xi32, #tpu.memory_space<vmem>>, vector<16xi32>,
      %swap3A_191 = arith.constant 1456 : index
      %swap3A_192 = tpu.vector_load %arg9[%swap3A_191] {strides = array<i32>} : memref<3072xi32, #tpu.memory_space<vmem>>, vector<16xi32>,
      tpu.vector_store %arg9[%swap3A_191], %broadcast_in_dim3A_9 {strides = array<i32>} : memref<3072xi32, #tpu.memory_space<vmem>>, vector<16xi32>,
      %swap3A_193 = arith.constant 1472 : index
      %swap3A_194 = tpu.vector_load %arg9[%swap3A_193] {strides = array<i32>} : memref<3072xi32, #tpu.memory_space<vmem>>, vector<16xi32>,
      tpu.vector_store %arg9[%swap3A_193], %broadcast_in_dim3A_9 {strides = array<i32>} : memref<3072xi32, #tpu.memory_space<vmem>>, vector<16xi32>,
      %swap3A_195 = arith.constant 1488 : index
      %swap3A_196 = tpu.vector_load %arg9[%swap3A_195] {strides = array<i32>} : memref<3072xi32, #tpu.memory_space<vmem>>, vector<16xi32>,
      tpu.vector_store %arg9[%swap3A_195], %broadcast_in_dim3A_9 {strides = array<i32>} : memref<3072xi32, #tpu.memory_space<vmem>>, vector<16xi32>,
      %swap3A_197 = arith.constant 1504 : index
      %swap3A_198 = tpu.vector_load %arg9[%swap3A_197] {strides = array<i32>} : memref<3072xi32, #tpu.memory_space<vmem>>, vector<16xi32>,
      tpu.vector_store %arg9[%swap3A_197], %broadcast_in_dim3A_9 {strides = array<i32>} : memref<3072xi32, #tpu.memory_space<vmem>>, vector<16xi32>,
      %swap3A_199 = arith.constant 1520 : index
      %swap3A_200 = tpu.vector_load %arg9[%swap3A_199] {strides = array<i32>} : memref<3072xi32, #tpu.memory_space<vmem>>, vector<16xi32>,
      tpu.vector_store %arg9[%swap3A_199], %broadcast_in_dim3A_9 {strides = array<i32>} : memref<3072xi32, #tpu.memory_space<vmem>>, vector<16xi32>,
      %swap3A_201 = arith.constant 1536 : index
      %swap3A_202 = tpu.vector_load %arg9[%swap3A_201] {strides = array<i32>} : memref<3072xi32, #tpu.memory_space<vmem>>, vector<16xi32>,
      tpu.vector_store %arg9[%swap3A_201], %broadcast_in_dim3A_9 {strides = array<i32>} : memref<3072xi32, #tpu.memory_space<vmem>>, vector<16xi32>,
      %swap3A_203 = arith.constant 1552 : index
      %swap3A_204 = tpu.vector_load %arg9[%swap3A_203] {strides = array<i32>} : memref<3072xi32, #tpu.memory_space<vmem>>, vector<16xi32>,
      tpu.vector_store %arg9[%swap3A_203], %broadcast_in_dim3A_9 {strides = array<i32>} : memref<3072xi32, #tpu.memory_space<vmem>>, vector<16xi32>,
      %swap3A_205 = arith.constant 1568 : index
      %swap3A_206 = tpu.vector_load %arg9[%swap3A_205] {strides = array<i32>} : memref<3072xi32, #tpu.memory_space<vmem>>, vector<16xi32>,
      tpu.vector_store %arg9[%swap3A_205], %broadcast_in_dim3A_9 {strides = array<i32>} : memref<3072xi32, #tpu.memory_space<vmem>>, vector<16xi32>,
      %swap3A_207 = arith.constant 1584 : index
      %swap3A_208 = tpu.vector_load %arg9[%swap3A_207] {strides = array<i32>} : memref<3072xi32, #tpu.memory_space<vmem>>, vector<16xi32>,
      tpu.vector_store %arg9[%swap3A_207], %broadcast_in_dim3A_9 {strides = array<i32>} : memref<3072xi32, #tpu.memory_space<vmem>>, vector<16xi32>,
      %swap3A_209 = arith.constant 1600 : index
      %swap3A_210 = tpu.vector_load %arg9[%swap3A_209] {strides = array<i32>} : memref<3072xi32, #tpu.memory_space<vmem>>, vector<16xi32>,
      tpu.vector_store %arg9[%swap3A_209], %broadcast_in_dim3A_9 {strides = array<i32>} : memref<3072xi32, #tpu.memory_space<vmem>>, vector<16xi32>,
      %swap3A_211 = arith.constant 1616 : index
      %swap3A_212 = tpu.vector_load %arg9[%swap3A_211] {strides = array<i32>} : memref<3072xi32, #tpu.memory_space<vmem>>, vector<16xi32>,
      tpu.vector_store %arg9[%swap3A_211], %broadcast_in_dim3A_9 {strides = array<i32>} : memref<3072xi32, #tpu.memory_space<vmem>>, vector<16xi32>,
      %swap3A_213 = arith.constant 1632 : index
      %swap3A_214 = tpu.vector_load %arg9[%swap3A_213] {strides = array<i32>} : memref<3072xi32, #tpu.memory_space<vmem>>, vector<16xi32>,
      tpu.vector_store %arg9[%swap3A_213], %broadcast_in_dim3A_9 {strides = array<i32>} : memref<3072xi32, #tpu.memory_space<vmem>>, vector<16xi32>,
      %swap3A_215 = arith.constant 1648 : index
      %swap3A_216 = tpu.vector_load %arg9[%swap3A_215] {strides = array<i32>} : memref<3072xi32, #tpu.memory_space<vmem>>, vector<16xi32>,
      tpu.vector_store %arg9[%swap3A_215], %broadcast_in_dim3A_9 {strides = array<i32>} : memref<3072xi32, #tpu.memory_space<vmem>>, vector<16xi32>,
      %swap3A_217 = arith.constant 1664 : index
      %swap3A_218 = tpu.vector_load %arg9[%swap3A_217] {strides = array<i32>} : memref<3072xi32, #tpu.memory_space<vmem>>, vector<16xi32>,
      tpu.vector_store %arg9[%swap3A_217], %broadcast_in_dim3A_9 {strides = array<i32>} : memref<3072xi32, #tpu.memory_space<vmem>>, vector<16xi32>,
      %swap3A_219 = arith.constant 1680 : index
      %swap3A_220 = tpu.vector_load %arg9[%swap3A_219] {strides = array<i32>} : memref<3072xi32, #tpu.memory_space<vmem>>, vector<16xi32>,
      tpu.vector_store %arg9[%swap3A_219], %broadcast_in_dim3A_9 {strides = array<i32>} : memref<3072xi32, #tpu.memory_space<vmem>>, vector<16xi32>,
      %swap3A_221 = arith.constant 1696 : index
      %swap3A_222 = tpu.vector_load %arg9[%swap3A_221] {strides = array<i32>} : memref<3072xi32, #tpu.memory_space<vmem>>, vector<16xi32>,
      tpu.vector_store %arg9[%swap3A_221], %broadcast_in_dim3A_9 {strides = array<i32>} : memref<3072xi32, #tpu.memory_space<vmem>>, vector<16xi32>,
      %swap3A_223 = arith.constant 1712 : index
      %swap3A_224 = tpu.vector_load %arg9[%swap3A_223] {strides = array<i32>} : memref<3072xi32, #tpu.memory_space<vmem>>, vector<16xi32>,
      tpu.vector_store %arg9[%swap3A_223], %broadcast_in_dim3A_9 {strides = array<i32>} : memref<3072xi32, #tpu.memory_space<vmem>>, vector<16xi32>,
      %swap3A_225 = arith.constant 1728 : index
      %swap3A_226 = tpu.vector_load %arg9[%swap3A_225] {strides = array<i32>} : memref<3072xi32, #tpu.memory_space<vmem>>, vector<16xi32>,
      tpu.vector_store %arg9[%swap3A_225], %broadcast_in_dim3A_9 {strides = array<i32>} : memref<3072xi32, #tpu.memory_space<vmem>>, vector<16xi32>,
      %swap3A_227 = arith.constant 1744 : index
      %swap3A_228 = tpu.vector_load %arg9[%swap3A_227] {strides = array<i32>} : memref<3072xi32, #tpu.memory_space<vmem>>, vector<16xi32>,
      tpu.vector_store %arg9[%swap3A_227], %broadcast_in_dim3A_9 {strides = array<i32>} : memref<3072xi32, #tpu.memory_space<vmem>>, vector<16xi32>,
      %swap3A_229 = arith.constant 1760 : index
      %swap3A_230 = tpu.vector_load %arg9[%swap3A_229] {strides = array<i32>} : memref<3072xi32, #tpu.memory_space<vmem>>, vector<16xi32>,
      tpu.vector_store %arg9[%swap3A_229], %broadcast_in_dim3A_9 {strides = array<i32>} : memref<3072xi32, #tpu.memory_space<vmem>>, vector<16xi32>,
      %swap3A_231 = arith.constant 1776 : index
      %swap3A_232 = tpu.vector_load %arg9[%swap3A_231] {strides = array<i32>} : memref<3072xi32, #tpu.memory_space<vmem>>, vector<16xi32>,
      tpu.vector_store %arg9[%swap3A_231], %broadcast_in_dim3A_9 {strides = array<i32>} : memref<3072xi32, #tpu.memory_space<vmem>>, vector<16xi32>,
      %swap3A_233 = arith.constant 1792 : index
      %swap3A_234 = tpu.vector_load %arg9[%swap3A_233] {strides = array<i32>} : memref<3072xi32, #tpu.memory_space<vmem>>, vector<16xi32>,
      tpu.vector_store %arg9[%swap3A_233], %broadcast_in_dim3A_9 {strides = array<i32>} : memref<3072xi32, #tpu.memory_space<vmem>>, vector<16xi32>,
      %swap3A_235 = arith.constant 1808 : index
      %swap3A_236 = tpu.vector_load %arg9[%swap3A_235] {strides = array<i32>} : memref<3072xi32, #tpu.memory_space<vmem>>, vector<16xi32>,
      tpu.vector_store %arg9[%swap3A_235], %broadcast_in_dim3A_9 {strides = array<i32>} : memref<3072xi32, #tpu.memory_space<vmem>>, vector<16xi32>,
      %swap3A_237 = arith.constant 1824 : index
      %swap3A_238 = tpu.vector_load %arg9[%swap3A_237] {strides = array<i32>} : memref<3072xi32, #tpu.memory_space<vmem>>, vector<16xi32>,
      tpu.vector_store %arg9[%swap3A_237], %broadcast_in_dim3A_9 {strides = array<i32>} : memref<3072xi32, #tpu.memory_space<vmem>>, vector<16xi32>,
      %swap3A_239 = arith.constant 1840 : index
      %swap3A_240 = tpu.vector_load %arg9[%swap3A_239] {strides = array<i32>} : memref<3072xi32, #tpu.memory_space<vmem>>, vector<16xi32>,
      tpu.vector_store %arg9[%swap3A_239], %broadcast_in_dim3A_9 {strides = array<i32>} : memref<3072xi32, #tpu.memory_space<vmem>>, vector<16xi32>,
      %swap3A_241 = arith.constant 1856 : index
      %swap3A_242 = tpu.vector_load %arg9[%swap3A_241] {strides = array<i32>} : memref<3072xi32, #tpu.memory_space<vmem>>, vector<16xi32>,
      tpu.vector_store %arg9[%swap3A_241], %broadcast_in_dim3A_9 {strides = array<i32>} : memref<3072xi32, #tpu.memory_space<vmem>>, vector<16xi32>,
      %swap3A_243 = arith.constant 1872 : index
      %swap3A_244 = tpu.vector_load %arg9[%swap3A_243] {strides = array<i32>} : memref<3072xi32, #tpu.memory_space<vmem>>, vector<16xi32>,
      tpu.vector_store %arg9[%swap3A_243], %broadcast_in_dim3A_9 {strides = array<i32>} : memref<3072xi32, #tpu.memory_space<vmem>>, vector<16xi32>,
      %swap3A_245 = arith.constant 1888 : index
      %swap3A_246 = tpu.vector_load %arg9[%swap3A_245] {strides = array<i32>} : memref<3072xi32, #tpu.memory_space<vmem>>, vector<16xi32>,
      tpu.vector_store %arg9[%swap3A_245], %broadcast_in_dim3A_9 {strides = array<i32>} : memref<3072xi32, #tpu.memory_space<vmem>>, vector<16xi32>,
      %swap3A_247 = arith.constant 1904 : index
      %swap3A_248 = tpu.vector_load %arg9[%swap3A_247] {strides = array<i32>} : memref<3072xi32, #tpu.memory_space<vmem>>, vector<16xi32>,
      tpu.vector_store %arg9[%swap3A_247], %broadcast_in_dim3A_9 {strides = array<i32>} : memref<3072xi32, #tpu.memory_space<vmem>>, vector<16xi32>,
      %swap3A_249 = arith.constant 1920 : index
      %swap3A_250 = tpu.vector_load %arg9[%swap3A_249] {strides = array<i32>} : memref<3072xi32, #tpu.memory_space<vmem>>, vector<16xi32>,
      tpu.vector_store %arg9[%swap3A_249], %broadcast_in_dim3A_9 {strides = array<i32>} : memref<3072xi32, #tpu.memory_space<vmem>>, vector<16xi32>,
      %swap3A_251 = arith.constant 1936 : index
      %swap3A_252 = tpu.vector_load %arg9[%swap3A_251] {strides = array<i32>} : memref<3072xi32, #tpu.memory_space<vmem>>, vector<16xi32>,
      tpu.vector_store %arg9[%swap3A_251], %broadcast_in_dim3A_9 {strides = array<i32>} : memref<3072xi32, #tpu.memory_space<vmem>>, vector<16xi32>,
      %swap3A_253 = arith.constant 1952 : index
      %swap3A_254 = tpu.vector_load %arg9[%swap3A_253] {strides = array<i32>} : memref<3072xi32, #tpu.memory_space<vmem>>, vector<16xi32>,
      tpu.vector_store %arg9[%swap3A_253], %broadcast_in_dim3A_9 {strides = array<i32>} : memref<3072xi32, #tpu.memory_space<vmem>>, vector<16xi32>,
      %swap3A_255 = arith.constant 1968 : index
      %swap3A_256 = tpu.vector_load %arg9[%swap3A_255] {strides = array<i32>} : memref<3072xi32, #tpu.memory_space<vmem>>, vector<16xi32>,
      tpu.vector_store %arg9[%swap3A_255], %broadcast_in_dim3A_9 {strides = array<i32>} : memref<3072xi32, #tpu.memory_space<vmem>>, vector<16xi32>,
      %swap3A_257 = arith.constant 1984 : index
      %swap3A_258 = tpu.vector_load %arg9[%swap3A_257] {strides = array<i32>} : memref<3072xi32, #tpu.memory_space<vmem>>, vector<16xi32>,
      tpu.vector_store %arg9[%swap3A_257], %broadcast_in_dim3A_9 {strides = array<i32>} : memref<3072xi32, #tpu.memory_space<vmem>>, vector<16xi32>,
      %swap3A_259 = arith.constant 2000 : index
      %swap3A_260 = tpu.vector_load %arg9[%swap3A_259] {strides = array<i32>} : memref<3072xi32, #tpu.memory_space<vmem>>, vector<16xi32>,
      tpu.vector_store %arg9[%swap3A_259], %broadcast_in_dim3A_9 {strides = array<i32>} : memref<3072xi32, #tpu.memory_space<vmem>>, vector<16xi32>,
      %swap3A_261 = arith.constant 2016 : index
      %swap3A_262 = tpu.vector_load %arg9[%swap3A_261] {strides = array<i32>} : memref<3072xi32, #tpu.memory_space<vmem>>, vector<16xi32>,
      tpu.vector_store %arg9[%swap3A_261], %broadcast_in_dim3A_9 {strides = array<i32>} : memref<3072xi32, #tpu.memory_space<vmem>>, vector<16xi32>,
      %swap3A_263 = arith.constant 2032 : index
      %swap3A_264 = tpu.vector_load %arg9[%swap3A_263] {strides = array<i32>} : memref<3072xi32, #tpu.memory_space<vmem>>, vector<16xi32>,
      tpu.vector_store %arg9[%swap3A_263], %broadcast_in_dim3A_9 {strides = array<i32>} : memref<3072xi32, #tpu.memory_space<vmem>>, vector<16xi32>,
      %swap3A_265 = arith.constant 2048 : index
      %swap3A_266 = tpu.vector_load %arg9[%swap3A_265] {strides = array<i32>} : memref<3072xi32, #tpu.memory_space<vmem>>, vector<16xi32>,
      tpu.vector_store %arg9[%swap3A_265], %broadcast_in_dim3A_9 {strides = array<i32>} : memref<3072xi32, #tpu.memory_space<vmem>>, vector<16xi32>,
      %swap3A_267 = arith.constant 2064 : index
      %swap3A_268 = tpu.vector_load %arg9[%swap3A_267] {strides = array<i32>} : memref<3072xi32, #tpu.memory_space<vmem>>, vector<16xi32>,
      tpu.vector_store %arg9[%swap3A_267], %broadcast_in_dim3A_9 {strides = array<i32>} : memref<3072xi32, #tpu.memory_space<vmem>>, vector<16xi32>,
      %swap3A_269 = arith.constant 2080 : index
      %swap3A_270 = tpu.vector_load %arg9[%swap3A_269] {strides = array<i32>} : memref<3072xi32, #tpu.memory_space<vmem>>, vector<16xi32>,
      tpu.vector_store %arg9[%swap3A_269], %broadcast_in_dim3A_9 {strides = array<i32>} : memref<3072xi32, #tpu.memory_space<vmem>>, vector<16xi32>,
      %swap3A_271 = arith.constant 2096 : index
      %swap3A_272 = tpu.vector_load %arg9[%swap3A_271] {strides = array<i32>} : memref<3072xi32, #tpu.memory_space<vmem>>, vector<16xi32>,
      tpu.vector_store %arg9[%swap3A_271], %broadcast_in_dim3A_9 {strides = array<i32>} : memref<3072xi32, #tpu.memory_space<vmem>>, vector<16xi32>,
      %swap3A_273 = arith.constant 2112 : index
      %swap3A_274 = tpu.vector_load %arg9[%swap3A_273] {strides = array<i32>} : memref<3072xi32, #tpu.memory_space<vmem>>, vector<16xi32>,
      tpu.vector_store %arg9[%swap3A_273], %broadcast_in_dim3A_9 {strides = array<i32>} : memref<3072xi32, #tpu.memory_space<vmem>>, vector<16xi32>,
      %swap3A_275 = arith.constant 2128 : index
      %swap3A_276 = tpu.vector_load %arg9[%swap3A_275] {strides = array<i32>} : memref<3072xi32, #tpu.memory_space<vmem>>, vector<16xi32>,
      tpu.vector_store %arg9[%swap3A_275], %broadcast_in_dim3A_9 {strides = array<i32>} : memref<3072xi32, #tpu.memory_space<vmem>>, vector<16xi32>,
      %swap3A_277 = arith.constant 2144 : index
      %swap3A_278 = tpu.vector_load %arg9[%swap3A_277] {strides = array<i32>} : memref<3072xi32, #tpu.memory_space<vmem>>, vector<16xi32>,
      tpu.vector_store %arg9[%swap3A_277], %broadcast_in_dim3A_9 {strides = array<i32>} : memref<3072xi32, #tpu.memory_space<vmem>>, vector<16xi32>,
      %swap3A_279 = arith.constant 2160 : index
      %swap3A_280 = tpu.vector_load %arg9[%swap3A_279] {strides = array<i32>} : memref<3072xi32, #tpu.memory_space<vmem>>, vector<16xi32>,
      tpu.vector_store %arg9[%swap3A_279], %broadcast_in_dim3A_9 {strides = array<i32>} : memref<3072xi32, #tpu.memory_space<vmem>>, vector<16xi32>,
      %swap3A_281 = arith.constant 2176 : index
      %swap3A_282 = tpu.vector_load %arg9[%swap3A_281] {strides = array<i32>} : memref<3072xi32, #tpu.memory_space<vmem>>, vector<16xi32>,
      tpu.vector_store %arg9[%swap3A_281], %broadcast_in_dim3A_9 {strides = array<i32>} : memref<3072xi32, #tpu.memory_space<vmem>>, vector<16xi32>,
      %swap3A_283 = arith.constant 2192 : index
      %swap3A_284 = tpu.vector_load %arg9[%swap3A_283] {strides = array<i32>} : memref<3072xi32, #tpu.memory_space<vmem>>, vector<16xi32>,
      tpu.vector_store %arg9[%swap3A_283], %broadcast_in_dim3A_9 {strides = array<i32>} : memref<3072xi32, #tpu.memory_space<vmem>>, vector<16xi32>,
      %swap3A_285 = arith.constant 2208 : index
      %swap3A_286 = tpu.vector_load %arg9[%swap3A_285] {strides = array<i32>} : memref<3072xi32, #tpu.memory_space<vmem>>, vector<16xi32>,
      tpu.vector_store %arg9[%swap3A_285], %broadcast_in_dim3A_9 {strides = array<i32>} : memref<3072xi32, #tpu.memory_space<vmem>>, vector<16xi32>,
      %swap3A_287 = arith.constant 2224 : index
      %swap3A_288 = tpu.vector_load %arg9[%swap3A_287] {strides = array<i32>} : memref<3072xi32, #tpu.memory_space<vmem>>, vector<16xi32>,
      tpu.vector_store %arg9[%swap3A_287], %broadcast_in_dim3A_9 {strides = array<i32>} : memref<3072xi32, #tpu.memory_space<vmem>>, vector<16xi32>,
      %swap3A_289 = arith.constant 2240 : index
      %swap3A_290 = tpu.vector_load %arg9[%swap3A_289] {strides = array<i32>} : memref<3072xi32, #tpu.memory_space<vmem>>, vector<16xi32>,
      tpu.vector_store %arg9[%swap3A_289], %broadcast_in_dim3A_9 {strides = array<i32>} : memref<3072xi32, #tpu.memory_space<vmem>>, vector<16xi32>,
      %swap3A_291 = arith.constant 2256 : index
      %swap3A_292 = tpu.vector_load %arg9[%swap3A_291] {strides = array<i32>} : memref<3072xi32, #tpu.memory_space<vmem>>, vector<16xi32>,
      tpu.vector_store %arg9[%swap3A_291], %broadcast_in_dim3A_9 {strides = array<i32>} : memref<3072xi32, #tpu.memory_space<vmem>>, vector<16xi32>,
      %swap3A_293 = arith.constant 2272 : index
      %swap3A_294 = tpu.vector_load %arg9[%swap3A_293] {strides = array<i32>} : memref<3072xi32, #tpu.memory_space<vmem>>, vector<16xi32>,
      tpu.vector_store %arg9[%swap3A_293], %broadcast_in_dim3A_9 {strides = array<i32>} : memref<3072xi32, #tpu.memory_space<vmem>>, vector<16xi32>,
      %swap3A_295 = arith.constant 2288 : index
      %swap3A_296 = tpu.vector_load %arg9[%swap3A_295] {strides = array<i32>} : memref<3072xi32, #tpu.memory_space<vmem>>, vector<16xi32>,
      tpu.vector_store %arg9[%swap3A_295], %broadcast_in_dim3A_9 {strides = array<i32>} : memref<3072xi32, #tpu.memory_space<vmem>>, vector<16xi32>,
      %swap3A_297 = arith.constant 2304 : index
      %swap3A_298 = tpu.vector_load %arg9[%swap3A_297] {strides = array<i32>} : memref<3072xi32, #tpu.memory_space<vmem>>, vector<16xi32>,
      tpu.vector_store %arg9[%swap3A_297], %broadcast_in_dim3A_9 {strides = array<i32>} : memref<3072xi32, #tpu.memory_space<vmem>>, vector<16xi32>,
      %swap3A_299 = arith.constant 2320 : index
      %swap3A_300 = tpu.vector_load %arg9[%swap3A_299] {strides = array<i32>} : memref<3072xi32, #tpu.memory_space<vmem>>, vector<16xi32>,
      tpu.vector_store %arg9[%swap3A_299], %broadcast_in_dim3A_9 {strides = array<i32>} : memref<3072xi32, #tpu.memory_space<vmem>>, vector<16xi32>,
      %swap3A_301 = arith.constant 2336 : index
      %swap3A_302 = tpu.vector_load %arg9[%swap3A_301] {strides = array<i32>} : memref<3072xi32, #tpu.memory_space<vmem>>, vector<16xi32>,
      tpu.vector_store %arg9[%swap3A_301], %broadcast_in_dim3A_9 {strides = array<i32>} : memref<3072xi32, #tpu.memory_space<vmem>>, vector<16xi32>,
      %swap3A_303 = arith.constant 2352 : index
      %swap3A_304 = tpu.vector_load %arg9[%swap3A_303] {strides = array<i32>} : memref<3072xi32, #tpu.memory_space<vmem>>, vector<16xi32>,
      tpu.vector_store %arg9[%swap3A_303], %broadcast_in_dim3A_9 {strides = array<i32>} : memref<3072xi32, #tpu.memory_space<vmem>>, vector<16xi32>,
      %swap3A_305 = arith.constant 2368 : index
      %swap3A_306 = tpu.vector_load %arg9[%swap3A_305] {strides = array<i32>} : memref<3072xi32, #tpu.memory_space<vmem>>, vector<16xi32>,
      tpu.vector_store %arg9[%swap3A_305], %broadcast_in_dim3A_9 {strides = array<i32>} : memref<3072xi32, #tpu.memory_space<vmem>>, vector<16xi32>,
      %swap3A_307 = arith.constant 2384 : index
      %swap3A_308 = tpu.vector_load %arg9[%swap3A_307] {strides = array<i32>} : memref<3072xi32, #tpu.memory_space<vmem>>, vector<16xi32>,
      tpu.vector_store %arg9[%swap3A_307], %broadcast_in_dim3A_9 {strides = array<i32>} : memref<3072xi32, #tpu.memory_space<vmem>>, vector<16xi32>,
      %swap3A_309 = arith.constant 2400 : index
      %swap3A_310 = tpu.vector_load %arg9[%swap3A_309] {strides = array<i32>} : memref<3072xi32, #tpu.memory_space<vmem>>, vector<16xi32>,
      tpu.vector_store %arg9[%swap3A_309], %broadcast_in_dim3A_9 {strides = array<i32>} : memref<3072xi32, #tpu.memory_space<vmem>>, vector<16xi32>,
      %swap3A_311 = arith.constant 2416 : index
      %swap3A_312 = tpu.vector_load %arg9[%swap3A_311] {strides = array<i32>} : memref<3072xi32, #tpu.memory_space<vmem>>, vector<16xi32>,
      tpu.vector_store %arg9[%swap3A_311], %broadcast_in_dim3A_9 {strides = array<i32>} : memref<3072xi32, #tpu.memory_space<vmem>>, vector<16xi32>,
      %swap3A_313 = arith.constant 2432 : index
      %swap3A_314 = tpu.vector_load %arg9[%swap3A_313] {strides = array<i32>} : memref<3072xi32, #tpu.memory_space<vmem>>, vector<16xi32>,
      tpu.vector_store %arg9[%swap3A_313], %broadcast_in_dim3A_9 {strides = array<i32>} : memref<3072xi32, #tpu.memory_space<vmem>>, vector<16xi32>,
      %swap3A_315 = arith.constant 2448 : index
      %swap3A_316 = tpu.vector_load %arg9[%swap3A_315] {strides = array<i32>} : memref<3072xi32, #tpu.memory_space<vmem>>, vector<16xi32>,
      tpu.vector_store %arg9[%swap3A_315], %broadcast_in_dim3A_9 {strides = array<i32>} : memref<3072xi32, #tpu.memory_space<vmem>>, vector<16xi32>,
      %swap3A_317 = arith.constant 2464 : index
      %swap3A_318 = tpu.vector_load %arg9[%swap3A_317] {strides = array<i32>} : memref<3072xi32, #tpu.memory_space<vmem>>, vector<16xi32>,
      tpu.vector_store %arg9[%swap3A_317], %broadcast_in_dim3A_9 {strides = array<i32>} : memref<3072xi32, #tpu.memory_space<vmem>>, vector<16xi32>,
      %swap3A_319 = arith.constant 2480 : index
      %swap3A_320 = tpu.vector_load %arg9[%swap3A_319] {strides = array<i32>} : memref<3072xi32, #tpu.memory_space<vmem>>, vector<16xi32>,
      tpu.vector_store %arg9[%swap3A_319], %broadcast_in_dim3A_9 {strides = array<i32>} : memref<3072xi32, #tpu.memory_space<vmem>>, vector<16xi32>,
      %swap3A_321 = arith.constant 2496 : index
      %swap3A_322 = tpu.vector_load %arg9[%swap3A_321] {strides = array<i32>} : memref<3072xi32, #tpu.memory_space<vmem>>, vector<16xi32>,
      tpu.vector_store %arg9[%swap3A_321], %broadcast_in_dim3A_9 {strides = array<i32>} : memref<3072xi32, #tpu.memory_space<vmem>>, vector<16xi32>,
      %swap3A_323 = arith.constant 2512 : index
      %swap3A_324 = tpu.vector_load %arg9[%swap3A_323] {strides = array<i32>} : memref<3072xi32, #tpu.memory_space<vmem>>, vector<16xi32>,
      tpu.vector_store %arg9[%swap3A_323], %broadcast_in_dim3A_9 {strides = array<i32>} : memref<3072xi32, #tpu.memory_space<vmem>>, vector<16xi32>,
      %swap3A_325 = arith.constant 2528 : index
      %swap3A_326 = tpu.vector_load %arg9[%swap3A_325] {strides = array<i32>} : memref<3072xi32, #tpu.memory_space<vmem>>, vector<16xi32>,
      tpu.vector_store %arg9[%swap3A_325], %broadcast_in_dim3A_9 {strides = array<i32>} : memref<3072xi32, #tpu.memory_space<vmem>>, vector<16xi32>,
      %swap3A_327 = arith.constant 2544 : index
      %swap3A_328 = tpu.vector_load %arg9[%swap3A_327] {strides = array<i32>} : memref<3072xi32, #tpu.memory_space<vmem>>, vector<16xi32>,
      tpu.vector_store %arg9[%swap3A_327], %broadcast_in_dim3A_9 {strides = array<i32>} : memref<3072xi32, #tpu.memory_space<vmem>>, vector<16xi32>,
      %swap3A_329 = arith.constant 2560 : index
      %swap3A_330 = tpu.vector_load %arg9[%swap3A_329] {strides = array<i32>} : memref<3072xi32, #tpu.memory_space<vmem>>, vector<16xi32>,
      tpu.vector_store %arg9[%swap3A_329], %broadcast_in_dim3A_9 {strides = array<i32>} : memref<3072xi32, #tpu.memory_space<vmem>>, vector<16xi32>,
      %swap3A_331 = arith.constant 2576 : index
      %swap3A_332 = tpu.vector_load %arg9[%swap3A_331] {strides = array<i32>} : memref<3072xi32, #tpu.memory_space<vmem>>, vector<16xi32>,
      tpu.vector_store %arg9[%swap3A_331], %broadcast_in_dim3A_9 {strides = array<i32>} : memref<3072xi32, #tpu.memory_space<vmem>>, vector<16xi32>,
      %swap3A_333 = arith.constant 2592 : index
      %swap3A_334 = tpu.vector_load %arg9[%swap3A_333] {strides = array<i32>} : memref<3072xi32, #tpu.memory_space<vmem>>, vector<16xi32>,
      tpu.vector_store %arg9[%swap3A_333], %broadcast_in_dim3A_9 {strides = array<i32>} : memref<3072xi32, #tpu.memory_space<vmem>>, vector<16xi32>,
      %swap3A_335 = arith.constant 2608 : index
      %swap3A_336 = tpu.vector_load %arg9[%swap3A_335] {strides = array<i32>} : memref<3072xi32, #tpu.memory_space<vmem>>, vector<16xi32>,
      tpu.vector_store %arg9[%swap3A_335], %broadcast_in_dim3A_9 {strides = array<i32>} : memref<3072xi32, #tpu.memory_space<vmem>>, vector<16xi32>,
      %swap3A_337 = arith.constant 2624 : index
      %swap3A_338 = tpu.vector_load %arg9[%swap3A_337] {strides = array<i32>} : memref<3072xi32, #tpu.memory_space<vmem>>, vector<16xi32>,
      tpu.vector_store %arg9[%swap3A_337], %broadcast_in_dim3A_9 {strides = array<i32>} : memref<3072xi32, #tpu.memory_space<vmem>>, vector<16xi32>,
      %swap3A_339 = arith.constant 2640 : index
      %swap3A_340 = tpu.vector_load %arg9[%swap3A_339] {strides = array<i32>} : memref<3072xi32, #tpu.memory_space<vmem>>, vector<16xi32>,
      tpu.vector_store %arg9[%swap3A_339], %broadcast_in_dim3A_9 {strides = array<i32>} : memref<3072xi32, #tpu.memory_space<vmem>>, vector<16xi32>,
      %swap3A_341 = arith.constant 2656 : index
      %swap3A_342 = tpu.vector_load %arg9[%swap3A_341] {strides = array<i32>} : memref<3072xi32, #tpu.memory_space<vmem>>, vector<16xi32>,
      tpu.vector_store %arg9[%swap3A_341], %broadcast_in_dim3A_9 {strides = array<i32>} : memref<3072xi32, #tpu.memory_space<vmem>>, vector<16xi32>,
      %swap3A_343 = arith.constant 2672 : index
      %swap3A_344 = tpu.vector_load %arg9[%swap3A_343] {strides = array<i32>} : memref<3072xi32, #tpu.memory_space<vmem>>, vector<16xi32>,
      tpu.vector_store %arg9[%swap3A_343], %broadcast_in_dim3A_9 {strides = array<i32>} : memref<3072xi32, #tpu.memory_space<vmem>>, vector<16xi32>,
      %swap3A_345 = arith.constant 2688 : index
      %swap3A_346 = tpu.vector_load %arg9[%swap3A_345] {strides = array<i32>} : memref<3072xi32, #tpu.memory_space<vmem>>, vector<16xi32>,
      tpu.vector_store %arg9[%swap3A_345], %broadcast_in_dim3A_9 {strides = array<i32>} : memref<3072xi32, #tpu.memory_space<vmem>>, vector<16xi32>,
      %swap3A_347 = arith.constant 2704 : index
      %swap3A_348 = tpu.vector_load %arg9[%swap3A_347] {strides = array<i32>} : memref<3072xi32, #tpu.memory_space<vmem>>, vector<16xi32>,
      tpu.vector_store %arg9[%swap3A_347], %broadcast_in_dim3A_9 {strides = array<i32>} : memref<3072xi32, #tpu.memory_space<vmem>>, vector<16xi32>,
      %swap3A_349 = arith.constant 2720 : index
      %swap3A_350 = tpu.vector_load %arg9[%swap3A_349] {strides = array<i32>} : memref<3072xi32, #tpu.memory_space<vmem>>, vector<16xi32>,
      tpu.vector_store %arg9[%swap3A_349], %broadcast_in_dim3A_9 {strides = array<i32>} : memref<3072xi32, #tpu.memory_space<vmem>>, vector<16xi32>,
      %swap3A_351 = arith.constant 2736 : index
      %swap3A_352 = tpu.vector_load %arg9[%swap3A_351] {strides = array<i32>} : memref<3072xi32, #tpu.memory_space<vmem>>, vector<16xi32>,
      tpu.vector_store %arg9[%swap3A_351], %broadcast_in_dim3A_9 {strides = array<i32>} : memref<3072xi32, #tpu.memory_space<vmem>>, vector<16xi32>,
      %swap3A_353 = arith.constant 2752 : index
      %swap3A_354 = tpu.vector_load %arg9[%swap3A_353] {strides = array<i32>} : memref<3072xi32, #tpu.memory_space<vmem>>, vector<16xi32>,
      tpu.vector_store %arg9[%swap3A_353], %broadcast_in_dim3A_9 {strides = array<i32>} : memref<3072xi32, #tpu.memory_space<vmem>>, vector<16xi32>,
      %swap3A_355 = arith.constant 2768 : index
      %swap3A_356 = tpu.vector_load %arg9[%swap3A_355] {strides = array<i32>} : memref<3072xi32, #tpu.memory_space<vmem>>, vector<16xi32>,
      tpu.vector_store %arg9[%swap3A_355], %broadcast_in_dim3A_9 {strides = array<i32>} : memref<3072xi32, #tpu.memory_space<vmem>>, vector<16xi32>,
      %swap3A_357 = arith.constant 2784 : index
      %swap3A_358 = tpu.vector_load %arg9[%swap3A_357] {strides = array<i32>} : memref<3072xi32, #tpu.memory_space<vmem>>, vector<16xi32>,
      tpu.vector_store %arg9[%swap3A_357], %broadcast_in_dim3A_9 {strides = array<i32>} : memref<3072xi32, #tpu.memory_space<vmem>>, vector<16xi32>,
      %swap3A_359 = arith.constant 2800 : index
      %swap3A_360 = tpu.vector_load %arg9[%swap3A_359] {strides = array<i32>} : memref<3072xi32, #tpu.memory_space<vmem>>, vector<16xi32>,
      tpu.vector_store %arg9[%swap3A_359], %broadcast_in_dim3A_9 {strides = array<i32>} : memref<3072xi32, #tpu.memory_space<vmem>>, vector<16xi32>,
      %swap3A_361 = arith.constant 2816 : index
      %swap3A_362 = tpu.vector_load %arg9[%swap3A_361] {strides = array<i32>} : memref<3072xi32, #tpu.memory_space<vmem>>, vector<16xi32>,
      tpu.vector_store %arg9[%swap3A_361], %broadcast_in_dim3A_9 {strides = array<i32>} : memref<3072xi32, #tpu.memory_space<vmem>>, vector<16xi32>,
      %swap3A_363 = arith.constant 2832 : index
      %swap3A_364 = tpu.vector_load %arg9[%swap3A_363] {strides = array<i32>} : memref<3072xi32, #tpu.memory_space<vmem>>, vector<16xi32>,
      tpu.vector_store %arg9[%swap3A_363], %broadcast_in_dim3A_9 {strides = array<i32>} : memref<3072xi32, #tpu.memory_space<vmem>>, vector<16xi32>,
      %swap3A_365 = arith.constant 2848 : index
      %swap3A_366 = tpu.vector_load %arg9[%swap3A_365] {strides = array<i32>} : memref<3072xi32, #tpu.memory_space<vmem>>, vector<16xi32>,
      tpu.vector_store %arg9[%swap3A_365], %broadcast_in_dim3A_9 {strides = array<i32>} : memref<3072xi32, #tpu.memory_space<vmem>>, vector<16xi32>,
      %swap3A_367 = arith.constant 2864 : index
      %swap3A_368 = tpu.vector_load %arg9[%swap3A_367] {strides = array<i32>} : memref<3072xi32, #tpu.memory_space<vmem>>, vector<16xi32>,
      tpu.vector_store %arg9[%swap3A_367], %broadcast_in_dim3A_9 {strides = array<i32>} : memref<3072xi32, #tpu.memory_space<vmem>>, vector<16xi32>,
      %swap3A_369 = arith.constant 2880 : index
      %swap3A_370 = tpu.vector_load %arg9[%swap3A_369] {strides = array<i32>} : memref<3072xi32, #tpu.memory_space<vmem>>, vector<16xi32>,
      tpu.vector_store %arg9[%swap3A_369], %broadcast_in_dim3A_9 {strides = array<i32>} : memref<3072xi32, #tpu.memory_space<vmem>>, vector<16xi32>,
      %swap3A_371 = arith.constant 2896 : index
      %swap3A_372 = tpu.vector_load %arg9[%swap3A_371] {strides = array<i32>} : memref<3072xi32, #tpu.memory_space<vmem>>, vector<16xi32>,
      tpu.vector_store %arg9[%swap3A_371], %broadcast_in_dim3A_9 {strides = array<i32>} : memref<3072xi32, #tpu.memory_space<vmem>>, vector<16xi32>,
      %swap3A_373 = arith.constant 2912 : index
      %swap3A_374 = tpu.vector_load %arg9[%swap3A_373] {strides = array<i32>} : memref<3072xi32, #tpu.memory_space<vmem>>, vector<16xi32>,
      tpu.vector_store %arg9[%swap3A_373], %broadcast_in_dim3A_9 {strides = array<i32>} : memref<3072xi32, #tpu.memory_space<vmem>>, vector<16xi32>,
      %swap3A_375 = arith.constant 2928 : index
      %swap3A_376 = tpu.vector_load %arg9[%swap3A_375] {strides = array<i32>} : memref<3072xi32, #tpu.memory_space<vmem>>, vector<16xi32>,
      tpu.vector_store %arg9[%swap3A_375], %broadcast_in_dim3A_9 {strides = array<i32>} : memref<3072xi32, #tpu.memory_space<vmem>>, vector<16xi32>,
      %swap3A_377 = arith.constant 2944 : index
      %swap3A_378 = tpu.vector_load %arg9[%swap3A_377] {strides = array<i32>} : memref<3072xi32, #tpu.memory_space<vmem>>, vector<16xi32>,
      tpu.vector_store %arg9[%swap3A_377], %broadcast_in_dim3A_9 {strides = array<i32>} : memref<3072xi32, #tpu.memory_space<vmem>>, vector<16xi32>,
      %swap3A_379 = arith.constant 2960 : index
      %swap3A_380 = tpu.vector_load %arg9[%swap3A_379] {strides = array<i32>} : memref<3072xi32, #tpu.memory_space<vmem>>, vector<16xi32>,
      tpu.vector_store %arg9[%swap3A_379], %broadcast_in_dim3A_9 {strides = array<i32>} : memref<3072xi32, #tpu.memory_space<vmem>>, vector<16xi32>,
      %swap3A_381 = arith.constant 2976 : index
      %swap3A_382 = tpu.vector_load %arg9[%swap3A_381] {strides = array<i32>} : memref<3072xi32, #tpu.memory_space<vmem>>, vector<16xi32>,
      tpu.vector_store %arg9[%swap3A_381], %broadcast_in_dim3A_9 {strides = array<i32>} : memref<3072xi32, #tpu.memory_space<vmem>>, vector<16xi32>,
      %swap3A_383 = arith.constant 2992 : index
      %swap3A_384 = tpu.vector_load %arg9[%swap3A_383] {strides = array<i32>} : memref<3072xi32, #tpu.memory_space<vmem>>, vector<16xi32>,
      tpu.vector_store %arg9[%swap3A_383], %broadcast_in_dim3A_9 {strides = array<i32>} : memref<3072xi32, #tpu.memory_space<vmem>>, vector<16xi32>,
      %swap3A_385 = arith.constant 3008 : index
      %swap3A_386 = tpu.vector_load %arg9[%swap3A_385] {strides = array<i32>} : memref<3072xi32, #tpu.memory_space<vmem>>, vector<16xi32>,
      tpu.vector_store %arg9[%swap3A_385], %broadcast_in_dim3A_9 {strides = array<i32>} : memref<3072xi32, #tpu.memory_space<vmem>>, vector<16xi32>,
      %swap3A_387 = arith.constant 3024 : index
      %swap3A_388 = tpu.vector_load %arg9[%swap3A_387] {strides = array<i32>} : memref<3072xi32, #tpu.memory_space<vmem>>, vector<16xi32>,
      tpu.vector_store %arg9[%swap3A_387], %broadcast_in_dim3A_9 {strides = array<i32>} : memref<3072xi32, #tpu.memory_space<vmem>>, vector<16xi32>,
      %swap3A_389 = arith.constant 3040 : index
      %swap3A_390 = tpu.vector_load %arg9[%swap3A_389] {strides = array<i32>} : memref<3072xi32, #tpu.memory_space<vmem>>, vector<16xi32>,
      tpu.vector_store %arg9[%swap3A_389], %broadcast_in_dim3A_9 {strides = array<i32>} : memref<3072xi32, #tpu.memory_space<vmem>>, vector<16xi32>,
      %swap3A_391 = arith.constant 3056 : index
      %swap3A_392 = tpu.vector_load %arg9[%swap3A_391] {strides = array<i32>} : memref<3072xi32, #tpu.memory_space<vmem>>, vector<16xi32>,
      tpu.vector_store %arg9[%swap3A_391], %broadcast_in_dim3A_9 {strides = array<i32>} : memref<3072xi32, #tpu.memory_space<vmem>>, vector<16xi32>,
      %swap3A_393 = arith.constant 0 : index
      %swap3A_394 = tpu.vector_load %arg12[%swap3A_393] {strides = array<i32>} : memref<16xi32, #tpu.memory_space<vmem>>, vector<16xi32>,
      tpu.vector_store %arg12[%swap3A_393], %broadcast_in_dim3A_9 {strides = array<i32>} : memref<16xi32, #tpu.memory_space<vmem>>, vector<16xi32>,
      %iota3A = tpu.iota {dimensions = array<i32: 0>} : vector<16xi32>
      %scan3A = arith.constant 0 : i32
      %scan3A_395 = arith.constant 0 : i32
      %scan3A_396 = arith.constant 128 : i32
      %scan3A_397 = arith.addi %scan3A_395, %scan3A_396 : i32
      %scan3A_398 = arith.constant 1 : i32
      %scan3A_399 = scf.for %scan3A_406 = %scan3A_395 to %scan3A_397 step %scan3A_398 iter_args(%scan3A_407 = %scan3A) -> (i32)  : i32 {
        %mul3A_408 = arith.constant 16 : i32
        %mul3A_409 = arith.muli %scan3A_406, %mul3A_408 : i32
        %get3A = arith.index_cast %mul3A_409 : i32 to index
        %get3A_410 = tpu.vector_load %arg8[%get3A] {strides = array<i32>} : memref<2048xi32, #tpu.memory_space<vmem>>, vector<16xi32>,
        %mul3A_411 = arith.constant 16 : i32
        %mul3A_412 = arith.muli %scan3A_406, %mul3A_411 : i32
        %add3A_413 = vector.broadcast %mul3A_412 : i32 to vector<16xi32>
        %add3A_414 = arith.addi %add3A_413, %iota3A : vector<16xi32>
        %broadcast_in_dim3A_415 = arith.constant true
        %broadcast_in_dim3A_416 = vector.broadcast %broadcast_in_dim3A_415 : i1 to vector<16xi1>
        %unique3A, %unique3A_417 = tpu.scan_count mask(%broadcast_in_dim3A_416 : vector<16xi1>) value(%get3A_410 : vector<16xi32>) : vector<16xi1>, vector<16xi32>
        %gather3A = tpu.vector_load_idx %arg12[%get3A_410] : memref<16xi32, #tpu.memory_space<vmem>>[vector<16xi32>], vector<16xi32>,
        %add3A_418 = arith.addi %gather3A, %unique3A_417 : vector<16xi32>
        %sub3A = arith.constant 1 : i32
        %sub3A_419 = vector.broadcast %sub3A : i32 to vector<16xi32>
        %sub3A_420 = arith.subi %add3A_418, %sub3A_419 : vector<16xi32>
        %lt3A = arith.constant 307 : i32
        %lt3A_421 = vector.broadcast %lt3A : i32 to vector<16xi32>
        %lt3A_422 = arith.cmpi slt, %sub3A_420, %lt3A_421 : vector<16xi32>
        %mul3A_423 = arith.constant 384 : i32
        %mul3A_424 = vector.broadcast %mul3A_423 : i32 to vector<16xi32>
        %mul3A_425 = arith.muli %get3A_410, %mul3A_424 : vector<16xi32>
        %add3A_426 = arith.addi %mul3A_425, %sub3A_420 : vector<16xi32>
        %jit3A = arith.constant 0 : i32
        %broadcast_in_dim3A_427 = vector.broadcast %jit3A : i32 to vector<16xi32>
        %select_n3A = arith.select %lt3A_422, %add3A_426, %broadcast_in_dim3A_427 : vector<16xi1>, vector<16xi32>
        %mul3A_428 = arith.constant 16 : i32
        %mul3A_429 = arith.muli %scan3A_406, %mul3A_428 : i32
        %swap3A_430 = arith.index_cast %mul3A_429 : i32 to index
        %swap3A_431 = tpu.vector_load %arg10[%swap3A_430] {strides = array<i32>} : memref<2048xi32, #tpu.memory_space<vmem>>, vector<16xi32>,
        tpu.vector_store %arg10[%swap3A_430], %select_n3A {strides = array<i32>} : memref<2048xi32, #tpu.memory_space<vmem>>, vector<16xi32>,
        %jit3A_432 = arith.constant 1.000000e+00 : f32
        %jit3A_433 = arith.constant 0.000000e+00 : f32
        %broadcast_in_dim3A_434 = vector.broadcast %jit3A_432 : f32 to vector<16xf32>
        %broadcast_in_dim3A_435 = vector.broadcast %jit3A_433 : f32 to vector<16xf32>
        %select_n3A_436 = arith.select %lt3A_422, %broadcast_in_dim3A_434, %broadcast_in_dim3A_435 : vector<16xi1>, vector<16xf32>
        %mul3A_437 = arith.constant 16 : i32
        %mul3A_438 = arith.muli %scan3A_406, %mul3A_437 : i32
        %swap3A_439 = arith.index_cast %mul3A_438 : i32 to index
        %swap3A_440 = tpu.vector_load %arg11[%swap3A_439] {strides = array<i32>} : memref<2048xf32, #tpu.memory_space<vmem>>, vector<16xf32>,
        tpu.vector_store %arg11[%swap3A_439], %select_n3A_436 {strides = array<i32>} : memref<2048xf32, #tpu.memory_space<vmem>>, vector<16xf32>,
        tpu.vector_store_idx %arg9[%add3A_426], %add3A_414 masked %lt3A_422 : memref<3072xi32, #tpu.memory_space<vmem>>[vector<16xi32>], vector<16xi32>, vector<16xi1>
        %add3A_441 = arith.constant 1 : i32
        %add3A_442 = vector.broadcast %add3A_441 : i32 to vector<16xi32>
        %add3A_443 = arith.addi %sub3A_420, %add3A_442 : vector<16xi32>
        tpu.vector_store_idx %arg12[%get3A_410], %add3A_443 masked %unique3A : memref<16xi32, #tpu.memory_space<vmem>>[vector<16xi32>], vector<16xi32>, vector<16xi1>
        %scan3A_444 = arith.constant 0 : i32
        scf.yield %scan3A_444 : i32
      }
      %scan3A_400 = arith.constant 128 : i32
      "tpu.region"() ({
        %run_scoped3A = tpu.sem_alloc : memref<!tpu.dma_semaphore, #tpu.memory_space<semaphore_mem>>
        tpu.enqueue_dma source(%arg9 : memref<3072xi32, #tpu.memory_space<vmem>>) target(%arg13 : memref<3072xi32, #tpu.memory_space<vmem_shared>>) target_semaphore(%run_scoped3A : memref<!tpu.dma_semaphore, #tpu.memory_space<semaphore_mem>>)
        tpu.wait_dma2 semaphore(%run_scoped3A : memref<!tpu.dma_semaphore, #tpu.memory_space<semaphore_mem>>) src(%arg9 : memref<3072xi32, #tpu.memory_space<vmem>>) dst(%arg13 : memref<3072xi32, #tpu.memory_space<vmem_shared>>)
        tpu.yield
      }) : () -> ()
      %eq3A_401 = arith.constant 0 : i32
      %eq3A_402 = arith.cmpi eq, %arg0, %eq3A_401 : i32
      %convert_element_type3A_403 = arith.extui %eq3A_402 : i1 to i32
      %cond3A_404 = arith.constant 0 : i32
      %cond3A_405 = arith.cmpi ne, %convert_element_type3A_403, %cond3A_404 : i32
      scf.if %cond3A_405 {
        "tpu.region"() ({
          %run_scoped3A = tpu.sem_alloc : memref<!tpu.dma_semaphore, #tpu.memory_space<semaphore_mem>>
          tpu.enqueue_dma source(%arg12 : memref<16xi32, #tpu.memory_space<vmem>>) target(%arg7 : memref<16xi32, #tpu.memory_space<hbm>>) target_semaphore(%run_scoped3A : memref<!tpu.dma_semaphore, #tpu.memory_space<semaphore_mem>>)
          tpu.wait_dma2 semaphore(%run_scoped3A : memref<!tpu.dma_semaphore, #tpu.memory_space<semaphore_mem>>) src(%arg12 : memref<16xi32, #tpu.memory_space<vmem>>) dst(%arg7 : memref<16xi32, #tpu.memory_space<hbm>>)
          tpu.yield
        }) : () -> ()
        "tpu.region"() ({
          %run_scoped3A = tpu.sem_alloc : memref<!tpu.dma_semaphore, #tpu.memory_space<semaphore_mem>>
          tpu.enqueue_dma source(%arg10 : memref<2048xi32, #tpu.memory_space<vmem>>) target(%arg5 : memref<2048xi32, #tpu.memory_space<hbm>>) target_semaphore(%run_scoped3A : memref<!tpu.dma_semaphore, #tpu.memory_space<semaphore_mem>>)
          tpu.wait_dma2 semaphore(%run_scoped3A : memref<!tpu.dma_semaphore, #tpu.memory_space<semaphore_mem>>) src(%arg10 : memref<2048xi32, #tpu.memory_space<vmem>>) dst(%arg5 : memref<2048xi32, #tpu.memory_space<hbm>>)
          tpu.yield
        }) : () -> ()
        "tpu.region"() ({
          %run_scoped3A = tpu.sem_alloc : memref<!tpu.dma_semaphore, #tpu.memory_space<semaphore_mem>>
          tpu.enqueue_dma source(%arg11 : memref<2048xf32, #tpu.memory_space<vmem>>) target(%arg6 : memref<2048xf32, #tpu.memory_space<hbm>>) target_semaphore(%run_scoped3A : memref<!tpu.dma_semaphore, #tpu.memory_space<semaphore_mem>>)
          tpu.wait_dma2 semaphore(%run_scoped3A : memref<!tpu.dma_semaphore, #tpu.memory_space<semaphore_mem>>) src(%arg11 : memref<2048xf32, #tpu.memory_space<vmem>>) dst(%arg6 : memref<2048xf32, #tpu.memory_space<hbm>>)
          tpu.yield
        }) : () -> ()
      } else {
      }
    } else {
    }
    %barrier3A = arith.constant 0 : index
    tpu.barrier barrier_id(%barrier3A)
    %mul3A_3 = arith.constant 96 : i32
    %mul3A_4 = arith.muli %add3A, %mul3A_3 : i32
    "tpu.region"() ({
      %run_scoped3A = tpu.sem_alloc : memref<!tpu.dma_semaphore, #tpu.memory_space<semaphore_mem>>
      %dma_start3A_9 = tpu.memref_slice %arg13[%mul3A_4] : memref<3072xi32, #tpu.memory_space<vmem_shared>> -> memref<96xi32, #tpu.memory_space<vmem_shared>>
      %dma_start3A_10 = tpu.memref_slice %arg13[%mul3A_4] : memref<3072xi32, #tpu.memory_space<vmem_shared>> -> memref<96xi32, #tpu.memory_space<vmem_shared>>
      tpu.enqueue_dma source(%dma_start3A_10 : memref<96xi32, #tpu.memory_space<vmem_shared>>) target(%arg14 : memref<96xi32, #tpu.memory_space<vmem>>) target_semaphore(%run_scoped3A : memref<!tpu.dma_semaphore, #tpu.memory_space<semaphore_mem>>)
      %dma_wait3A_11 = tpu.memref_slice %arg13[%mul3A_4] : memref<3072xi32, #tpu.memory_space<vmem_shared>> -> memref<96xi32, #tpu.memory_space<vmem_shared>>
      %dma_wait3A_12 = tpu.memref_slice %arg13[%mul3A_4] : memref<3072xi32, #tpu.memory_space<vmem_shared>> -> memref<96xi32, #tpu.memory_space<vmem_shared>>
      tpu.wait_dma2 semaphore(%run_scoped3A : memref<!tpu.dma_semaphore, #tpu.memory_space<semaphore_mem>>) src(%dma_wait3A_12 : memref<96xi32, #tpu.memory_space<vmem_shared>>) dst(%arg14 : memref<96xi32, #tpu.memory_space<vmem>>)
      tpu.yield
    }) : () -> ()
    %dma_start3A = arith.constant 0 : i32
    %dma_start3A_5 = arith.constant 0 : i32
    %dma_start3A_6 = tpu.memref_slice %arg3[%dma_start3A, %dma_start3A_5] : memref<2048x1024xf32, #tpu.memory_space<hbm>> -> memref<2048x1024xf32, #tpu.memory_space<hbm>>
    tpu.enqueue_indirect_dma source(%dma_start3A_6 : memref<2048x1024xf32, #tpu.memory_space<hbm>>) target(%arg15 : memref<96x1024xf32, #tpu.memory_space<vmem>>) offsets(%arg14 : memref<96xi32, #tpu.memory_space<vmem>>) semaphore(%arg16 : memref<!tpu.dma_semaphore, #tpu.memory_space<semaphore_mem>>)
    %dma_wait3A = arith.constant 0 : i32
    %dma_wait3A_7 = arith.constant 0 : i32
    %dma_wait3A_8 = tpu.memref_slice %arg3[%dma_wait3A, %dma_wait3A_7] : memref<2048x1024xf32, #tpu.memory_space<hbm>> -> memref<2048x1024xf32, #tpu.memory_space<hbm>>
    tpu.wait_indirect_dma semaphore(%arg16 : memref<!tpu.dma_semaphore, #tpu.memory_space<semaphore_mem>>) src(%dma_wait3A_8 : memref<2048x1024xf32, #tpu.memory_space<hbm>>) dst(%arg15 : memref<96x1024xf32, #tpu.memory_space<vmem>>)
    "tpu.region"() ({
      %run_scoped3A = tpu.sem_alloc : memref<!tpu.dma_semaphore, #tpu.memory_space<semaphore_mem>>
      %dma_start3A_9 = arith.constant 0 : i32
      %dma_start3A_10 = tpu.memref_slice %arg4[%mul3A_4, %dma_start3A_9] : memref<3072x1024xf32, #tpu.memory_space<hbm>> -> memref<96x1024xf32, #tpu.memory_space<hbm>>
      %dma_start3A_11 = arith.constant 0 : i32
      %dma_start3A_12 = tpu.memref_slice %arg4[%mul3A_4, %dma_start3A_11] : memref<3072x1024xf32, #tpu.memory_space<hbm>> -> memref<96x1024xf32, #tpu.memory_space<hbm>>
      tpu.enqueue_dma source(%arg15 : memref<96x1024xf32, #tpu.memory_space<vmem>>) target(%dma_start3A_12 : memref<96x1024xf32, #tpu.memory_space<hbm>>) target_semaphore(%run_scoped3A : memref<!tpu.dma_semaphore, #tpu.memory_space<semaphore_mem>>)
      %dma_wait3A_13 = arith.constant 0 : i32
      %dma_wait3A_14 = tpu.memref_slice %arg4[%mul3A_4, %dma_wait3A_13] : memref<3072x1024xf32, #tpu.memory_space<hbm>> -> memref<96x1024xf32, #tpu.memory_space<hbm>>
      %dma_wait3A_15 = arith.constant 0 : i32
      %dma_wait3A_16 = tpu.memref_slice %arg4[%mul3A_4, %dma_wait3A_15] : memref<3072x1024xf32, #tpu.memory_space<hbm>> -> memref<96x1024xf32, #tpu.memory_space<hbm>>
      tpu.wait_dma2 semaphore(%run_scoped3A : memref<!tpu.dma_semaphore, #tpu.memory_space<semaphore_mem>>) src(%arg15 : memref<96x1024xf32, #tpu.memory_space<vmem>>) dst(%dma_wait3A_16 : memref<96x1024xf32, #tpu.memory_space<hbm>>)
      tpu.yield
    }) : () -> ()
    return
  }
}

#map = affine_map<(d0, d1) -> (0)>
#map1 = affine_map<(d0, d1) -> (0, 0)>
module attributes {stable_mosaic.version = 14 : i64} {
  func.func @_perm_body(%arg0: i32, %arg1: i32, %arg2: memref<2048xi32, #tpu.memory_space<hbm>>, %arg3: memref<3072x1024xf32, #tpu.memory_space<hbm>>, %arg4: memref<2048x1024xf32, #tpu.memory_space<hbm>>, %arg5: memref<64xi32, #tpu.memory_space<vmem>>, %arg6: memref<64x1024xf32, #tpu.memory_space<vmem>>, %arg7: memref<!tpu.dma_semaphore, #tpu.memory_space<semaphore_mem>>) attributes {dimension_semantics = [#tpu.dimension_semantics<core_parallel>, #tpu.dimension_semantics<subcore_parallel>], iteration_bounds = array<i64: 2, 16>, scalar_prefetch = 0 : i64, scratch_operands = 3 : i64, tpu.core_type = #tpu.core_type<sc_vector_subcore>, window_params = [{transform_indices = #map}, {transform_indices = #map1}, {transform_indices = #map1}]} {
    %mul3A = arith.constant 2 : i32
    %mul3A_0 = arith.muli %arg1, %mul3A : i32
    %add3A = arith.addi %mul3A_0, %arg0 : i32
    %mul3A_1 = arith.constant 64 : i32
    %mul3A_2 = arith.muli %add3A, %mul3A_1 : i32
    "tpu.region"() ({
      %run_scoped3A = tpu.sem_alloc : memref<!tpu.dma_semaphore, #tpu.memory_space<semaphore_mem>>
      %dma_start3A_7 = tpu.memref_slice %arg2[%mul3A_2] : memref<2048xi32, #tpu.memory_space<hbm>> -> memref<64xi32, #tpu.memory_space<hbm>>
      %dma_start3A_8 = tpu.memref_slice %arg2[%mul3A_2] : memref<2048xi32, #tpu.memory_space<hbm>> -> memref<64xi32, #tpu.memory_space<hbm>>
      tpu.enqueue_dma source(%dma_start3A_8 : memref<64xi32, #tpu.memory_space<hbm>>) target(%arg5 : memref<64xi32, #tpu.memory_space<vmem>>) target_semaphore(%run_scoped3A : memref<!tpu.dma_semaphore, #tpu.memory_space<semaphore_mem>>)
      %dma_wait3A_9 = tpu.memref_slice %arg2[%mul3A_2] : memref<2048xi32, #tpu.memory_space<hbm>> -> memref<64xi32, #tpu.memory_space<hbm>>
      %dma_wait3A_10 = tpu.memref_slice %arg2[%mul3A_2] : memref<2048xi32, #tpu.memory_space<hbm>> -> memref<64xi32, #tpu.memory_space<hbm>>
      tpu.wait_dma2 semaphore(%run_scoped3A : memref<!tpu.dma_semaphore, #tpu.memory_space<semaphore_mem>>) src(%dma_wait3A_10 : memref<64xi32, #tpu.memory_space<hbm>>) dst(%arg5 : memref<64xi32, #tpu.memory_space<vmem>>)
      tpu.yield
    }) : () -> ()
    %dma_start3A = arith.constant 0 : i32
    %dma_start3A_3 = arith.constant 0 : i32
    %dma_start3A_4 = tpu.memref_slice %arg3[%dma_start3A, %dma_start3A_3] : memref<3072x1024xf32, #tpu.memory_space<hbm>> -> memref<3072x1024xf32, #tpu.memory_space<hbm>>
    tpu.enqueue_indirect_dma source(%dma_start3A_4 : memref<3072x1024xf32, #tpu.memory_space<hbm>>) target(%arg6 : memref<64x1024xf32, #tpu.memory_space<vmem>>) offsets(%arg5 : memref<64xi32, #tpu.memory_space<vmem>>) semaphore(%arg7 : memref<!tpu.dma_semaphore, #tpu.memory_space<semaphore_mem>>)
    %dma_wait3A = arith.constant 0 : i32
    %dma_wait3A_5 = arith.constant 0 : i32
    %dma_wait3A_6 = tpu.memref_slice %arg3[%dma_wait3A, %dma_wait3A_5] : memref<3072x1024xf32, #tpu.memory_space<hbm>> -> memref<3072x1024xf32, #tpu.memory_space<hbm>>
    tpu.wait_indirect_dma semaphore(%arg7 : memref<!tpu.dma_semaphore, #tpu.memory_space<semaphore_mem>>) src(%dma_wait3A_6 : memref<3072x1024xf32, #tpu.memory_space<hbm>>) dst(%arg6 : memref<64x1024xf32, #tpu.memory_space<vmem>>)
    "tpu.region"() ({
      %run_scoped3A = tpu.sem_alloc : memref<!tpu.dma_semaphore, #tpu.memory_space<semaphore_mem>>
      %dma_start3A_7 = arith.constant 0 : i32
      %dma_start3A_8 = tpu.memref_slice %arg4[%mul3A_2, %dma_start3A_7] : memref<2048x1024xf32, #tpu.memory_space<hbm>> -> memref<64x1024xf32, #tpu.memory_space<hbm>>
      %dma_start3A_9 = arith.constant 0 : i32
      %dma_start3A_10 = tpu.memref_slice %arg4[%mul3A_2, %dma_start3A_9] : memref<2048x1024xf32, #tpu.memory_space<hbm>> -> memref<64x1024xf32, #tpu.memory_space<hbm>>
      tpu.enqueue_dma source(%arg6 : memref<64x1024xf32, #tpu.memory_space<vmem>>) target(%dma_start3A_10 : memref<64x1024xf32, #tpu.memory_space<hbm>>) target_semaphore(%run_scoped3A : memref<!tpu.dma_semaphore, #tpu.memory_space<semaphore_mem>>)
      %dma_wait3A_11 = arith.constant 0 : i32
      %dma_wait3A_12 = tpu.memref_slice %arg4[%mul3A_2, %dma_wait3A_11] : memref<2048x1024xf32, #tpu.memory_space<hbm>> -> memref<64x1024xf32, #tpu.memory_space<hbm>>
      %dma_wait3A_13 = arith.constant 0 : i32
      %dma_wait3A_14 = tpu.memref_slice %arg4[%mul3A_2, %dma_wait3A_13] : memref<2048x1024xf32, #tpu.memory_space<hbm>> -> memref<64x1024xf32, #tpu.memory_space<hbm>>
      tpu.wait_dma2 semaphore(%run_scoped3A : memref<!tpu.dma_semaphore, #tpu.memory_space<semaphore_mem>>) src(%arg6 : memref<64x1024xf32, #tpu.memory_space<vmem>>) dst(%dma_wait3A_14 : memref<64x1024xf32, #tpu.memory_space<hbm>>)
      tpu.yield
    }) : () -> ()
    return
  }
}

module attributes {stable_mosaic.version = 14 : i64} {
  func.func @_router_body(%arg0: memref<2048x1024xf32, #tpu.memory_space<vmem>>, %arg1: memref<1024x8xf32, #tpu.memory_space<vmem>>, %arg2: memref<2048x1xi32, #tpu.memory_space<vmem>>) attributes {dimension_semantics = [], scalar_prefetch = 0 : i64, scratch_operands = 0 : i64, tpu.core_type = #tpu.core_type<tc>} {
    %get3A = arith.constant 0 : index
    %get3A_0 = arith.constant 0 : index
    %get3A_1 = vector.load %arg0[%get3A, %get3A_0] : memref<2048x1024xf32, #tpu.memory_space<vmem>>, vector<2048x1024xf32>
    %convert_element_type3A = arith.truncf %get3A_1 : vector<2048x1024xf32> to vector<2048x1024xbf16>
    %get3A_2 = arith.constant 0 : index
    %get3A_3 = arith.constant 0 : index
    %get3A_4 = vector.load %arg1[%get3A_2, %get3A_3] : memref<1024x8xf32, #tpu.memory_space<vmem>>, vector<1024x8xf32>
    %convert_element_type3A_5 = arith.truncf %get3A_4 : vector<1024x8xf32> to vector<1024x8xbf16>
    %dot_general3A = arith.constant dense<0.000000e+00> : vector<2048x8xf32>
    %dot_general3A_6 = tpu.matmul %convert_element_type3A, %convert_element_type3A_5, %dot_general3A {dimension_numbers = #tpu.dot_dimension_numbers<[1], [0], [0], [1], [0, 0, 1, 1], [], []>, transpose_lhs_hint = false} : vector<2048x1024xbf16>, vector<1024x8xbf16>, vector<2048x8xf32> -> vector<2048x8xf32>
    %reduce_max3A = arith.constant dense<0xFF800000> : vector<2048xf32>
    %reduce_max3A_7 = vector.multi_reduction <maximumf>, %dot_general3A_6, %reduce_max3A [1] : vector<2048x8xf32> to vector<2048xf32>
    %broadcast_in_dim3A = vector.shape_cast %reduce_max3A_7 : vector<2048xf32> to vector<2048x1xf32>
    %iota3A = tpu.iota {dimensions = array<i32: 1>} : vector<2048x8xi32>
    %eq3A = vector.broadcast %broadcast_in_dim3A : vector<2048x1xf32> to vector<2048x8xf32>
    %eq3A_8 = arith.cmpf oeq, %dot_general3A_6, %eq3A : vector<2048x8xf32>
    %jit3A = arith.constant 8 : i32
    %broadcast_in_dim3A_9 = vector.broadcast %jit3A : i32 to vector<2048x8xi32>
    %select_n3A = arith.select %eq3A_8, %iota3A, %broadcast_in_dim3A_9 : vector<2048x8xi1>, vector<2048x8xi32>
    %reduce_min3A = arith.constant dense<2147483647> : vector<2048xi32>
    %reduce_min3A_10 = vector.multi_reduction <minsi>, %select_n3A, %reduce_min3A [1] : vector<2048x8xi32> to vector<2048xi32>
    %broadcast_in_dim3A_11 = vector.shape_cast %reduce_min3A_10 : vector<2048xi32> to vector<2048x1xi32>
    %swap3A = arith.constant 0 : index
    %swap3A_12 = arith.constant 0 : index
    %swap3A_13 = vector.load %arg2[%swap3A, %swap3A_12] : memref<2048x1xi32, #tpu.memory_space<vmem>>, vector<2048x1xi32>
    tpu.vector_store %arg2[%swap3A, %swap3A_12], %broadcast_in_dim3A_11 {strides = array<i32>} : memref<2048x1xi32, #tpu.memory_space<vmem>>, vector<2048x1xi32>,
    return
  }
}

module attributes {stable_mosaic.version = 14 : i64} {
  func.func @_ffn_body(%arg0: i32, %arg1: i32, %arg2: memref<384x1024xf32, #tpu.memory_space<vmem>>, %arg3: memref<1x1024x1024xf32, #tpu.memory_space<vmem>>, %arg4: memref<1x1024x1024xf32, #tpu.memory_space<vmem>>, %arg5: memref<1x1024x1024xf32, #tpu.memory_space<vmem>>, %arg6: memref<384x1024xf32, #tpu.memory_space<vmem>>) attributes {dimension_semantics = [#tpu.dimension_semantics<arbitrary>, #tpu.dimension_semantics<arbitrary>], iteration_bounds = array<i64: 8, 4>, scalar_prefetch = 0 : i64, scratch_operands = 0 : i64, tpu.core_type = #tpu.core_type<tc>, window_params = [{transform_indices = @transform_0, window_bounds = array<i64: 384, 1024>}, {transform_indices = @transform_1, window_bounds = array<i64: 1, 1024, 1024>}, {transform_indices = @transform_2, window_bounds = array<i64: 1, 1024, 1024>}, {transform_indices = @transform_3, window_bounds = array<i64: 1, 1024, 1024>}, {transform_indices = @transform_4, window_bounds = array<i64: 384, 1024>}]} {
    %get3A = arith.constant 0 : index
    %get3A_0 = arith.constant 0 : index
    %get3A_1 = vector.load %arg2[%get3A, %get3A_0] : memref<384x1024xf32, #tpu.memory_space<vmem>>, vector<384x1024xf32>
    %convert_element_type3A = arith.truncf %get3A_1 : vector<384x1024xf32> to vector<384x1024xbf16>
    %get3A_2 = arith.constant 0 : index
    %get3A_3 = arith.constant 0 : index
    %get3A_4 = arith.constant 0 : index
    %get3A_5 = vector.load %arg3[%get3A_2, %get3A_3, %get3A_4] : memref<1x1024x1024xf32, #tpu.memory_space<vmem>>, vector<1x1024x1024xf32>
    %get3A_6 = vector.shape_cast %get3A_5 : vector<1x1024x1024xf32> to vector<1024x1024xf32>
    %convert_element_type3A_7 = arith.truncf %get3A_6 : vector<1024x1024xf32> to vector<1024x1024xbf16>
    %dot_general3A = arith.constant dense<0.000000e+00> : vector<384x1024xf32>
    %dot_general3A_8 = tpu.matmul %convert_element_type3A, %convert_element_type3A_7, %dot_general3A {dimension_numbers = #tpu.dot_dimension_numbers<[1], [0], [0], [1], [0, 0, 1, 1], [], []>, transpose_lhs_hint = false} : vector<384x1024xbf16>, vector<1024x1024xbf16>, vector<384x1024xf32> -> vector<384x1024xf32>
    %get3A_9 = arith.constant 0 : index
    %get3A_10 = arith.constant 0 : index
    %get3A_11 = arith.constant 0 : index
    %get3A_12 = vector.load %arg4[%get3A_9, %get3A_10, %get3A_11] : memref<1x1024x1024xf32, #tpu.memory_space<vmem>>, vector<1x1024x1024xf32>
    %get3A_13 = vector.shape_cast %get3A_12 : vector<1x1024x1024xf32> to vector<1024x1024xf32>
    %convert_element_type3A_14 = arith.truncf %get3A_13 : vector<1024x1024xf32> to vector<1024x1024xbf16>
    %dot_general3A_15 = arith.constant dense<0.000000e+00> : vector<384x1024xf32>
    %dot_general3A_16 = tpu.matmul %convert_element_type3A, %convert_element_type3A_14, %dot_general3A_15 {dimension_numbers = #tpu.dot_dimension_numbers<[1], [0], [0], [1], [0, 0, 1, 1], [], []>, transpose_lhs_hint = false} : vector<384x1024xbf16>, vector<1024x1024xbf16>, vector<384x1024xf32> -> vector<384x1024xf32>
    %neg3A = arith.constant 0.000000e+00 : f32
    %neg3A_17 = vector.broadcast %neg3A : f32 to vector<384x1024xf32>
    %neg3A_18 = arith.subf %neg3A_17, %dot_general3A_8 : vector<384x1024xf32>
    %exp3A = math.exp %neg3A_18 : vector<384x1024xf32>
    %add3A = arith.constant 1.000000e+00 : f32
    %add3A_19 = vector.broadcast %add3A : f32 to vector<384x1024xf32>
    %add3A_20 = arith.addf %add3A_19, %exp3A : vector<384x1024xf32>
    %div3A = arith.constant 1.000000e+00 : f32
    %div3A_21 = vector.broadcast %div3A : f32 to vector<384x1024xf32>
    %div3A_22 = arith.divf %div3A_21, %add3A_20 : vector<384x1024xf32>
    %mul3A = arith.mulf %dot_general3A_8, %div3A_22 : vector<384x1024xf32>
    %mul3A_23 = arith.mulf %mul3A, %dot_general3A_16 : vector<384x1024xf32>
    %convert_element_type3A_24 = arith.truncf %mul3A_23 : vector<384x1024xf32> to vector<384x1024xbf16>
    %get3A_25 = arith.constant 0 : index
    %get3A_26 = arith.constant 0 : index
    %get3A_27 = arith.constant 0 : index
    %get3A_28 = vector.load %arg5[%get3A_25, %get3A_26, %get3A_27] : memref<1x1024x1024xf32, #tpu.memory_space<vmem>>, vector<1x1024x1024xf32>
    %get3A_29 = vector.shape_cast %get3A_28 : vector<1x1024x1024xf32> to vector<1024x1024xf32>
    %convert_element_type3A_30 = arith.truncf %get3A_29 : vector<1024x1024xf32> to vector<1024x1024xbf16>
    %dot_general3A_31 = arith.constant dense<0.000000e+00> : vector<384x1024xf32>
    %dot_general3A_32 = tpu.matmul %convert_element_type3A_24, %convert_element_type3A_30, %dot_general3A_31 {dimension_numbers = #tpu.dot_dimension_numbers<[1], [0], [0], [1], [0, 0, 1, 1], [], []>, transpose_lhs_hint = false} : vector<384x1024xbf16>, vector<1024x1024xbf16>, vector<384x1024xf32> -> vector<384x1024xf32>
    %eq3A = arith.constant 0 : i32
    %eq3A_33 = arith.cmpi eq, %arg1, %eq3A : i32
    %convert_element_type3A_34 = arith.extui %eq3A_33 : i1 to i32
    %cond3A = arith.constant 0 : i32
    %cond3A_35 = arith.cmpi ne, %convert_element_type3A_34, %cond3A : i32
    scf.if %cond3A_35 {
      %swap3A = arith.constant 0 : index
      %swap3A_40 = arith.constant 0 : index
      %swap3A_41 = vector.load %arg6[%swap3A, %swap3A_40] : memref<384x1024xf32, #tpu.memory_space<vmem>>, vector<384x1024xf32>
      tpu.vector_store %arg6[%swap3A, %swap3A_40], %dot_general3A_32 {strides = array<i32>} : memref<384x1024xf32, #tpu.memory_space<vmem>>, vector<384x1024xf32>,
    } else {
    }
    %ne3A = arith.constant 0 : i32
    %ne3A_36 = arith.cmpi ne, %arg1, %ne3A : i32
    %convert_element_type3A_37 = arith.extui %ne3A_36 : i1 to i32
    %cond3A_38 = arith.constant 0 : i32
    %cond3A_39 = arith.cmpi ne, %convert_element_type3A_37, %cond3A_38 : i32
    scf.if %cond3A_39 {
      %get3A_40 = arith.constant 0 : index
      %get3A_41 = arith.constant 0 : index
      %get3A_42 = vector.load %arg6[%get3A_40, %get3A_41] : memref<384x1024xf32, #tpu.memory_space<vmem>>, vector<384x1024xf32>
      %add3A_43 = arith.addf %get3A_42, %dot_general3A_32 : vector<384x1024xf32>
      %swap3A = arith.constant 0 : index
      %swap3A_44 = arith.constant 0 : index
      %swap3A_45 = vector.load %arg6[%swap3A, %swap3A_44] : memref<384x1024xf32, #tpu.memory_space<vmem>>, vector<384x1024xf32>
      tpu.vector_store %arg6[%swap3A, %swap3A_44], %add3A_43 {strides = array<i32>} : memref<384x1024xf32, #tpu.memory_space<vmem>>, vector<384x1024xf32>,
    } else {
    }
    return
  }
  func.func @transform_0(%arg0: i32, %arg1: i32) -> (i32, i32) {
    %c0_i32 = arith.constant 0 : i32
    %c0_i32_0 = arith.constant 0 : i32
    return %arg0, %c0_i32 : i32, i32
  }
  func.func @transform_1(%arg0: i32, %arg1: i32) -> (i32, i32, i32) {
    %c0_i32 = arith.constant 0 : i32
    %c0_i32_0 = arith.constant 0 : i32
    return %arg0, %c0_i32, %arg1 : i32, i32, i32
  }
  func.func @transform_2(%arg0: i32, %arg1: i32) -> (i32, i32, i32) {
    %c0_i32 = arith.constant 0 : i32
    %c0_i32_0 = arith.constant 0 : i32
    return %arg0, %c0_i32, %arg1 : i32, i32, i32
  }
  func.func @transform_3(%arg0: i32, %arg1: i32) -> (i32, i32, i32) {
    %c0_i32 = arith.constant 0 : i32
    %c0_i32_0 = arith.constant 0 : i32
    return %arg0, %arg1, %c0_i32 : i32, i32, i32
  }
  func.func @transform_4(%arg0: i32, %arg1: i32) -> (i32, i32) {
    %c0_i32 = arith.constant 0 : i32
    %c0_i32_0 = arith.constant 0 : i32
    return %arg0, %c0_i32 : i32, i32
  }
}

module attributes {stable_mosaic.version = 14 : i64} {
  func.func @_shared_body(%arg0: i32, %arg1: memref<2048x1024xf32, #tpu.memory_space<vmem>>, %arg2: memref<1x1024x512xf32, #tpu.memory_space<vmem>>, %arg3: memref<1x1024x512xf32, #tpu.memory_space<vmem>>, %arg4: memref<1x512x1024xf32, #tpu.memory_space<vmem>>, %arg5: memref<2048x1024xf32, #tpu.memory_space<vmem>>, %arg6: memref<2048x1024xbf16, #tpu.memory_space<vmem>>) attributes {dimension_semantics = [#tpu.dimension_semantics<arbitrary>], iteration_bounds = array<i64: 4>, scalar_prefetch = 0 : i64, scratch_operands = 1 : i64, tpu.core_type = #tpu.core_type<tc>, window_params = [{pipeline_mode = #tpu.pipeline_mode<synchronous>, transform_indices = @transform_0, window_bounds = array<i64: 2048, 1024>}, {transform_indices = @transform_1, window_bounds = array<i64: 1, 1024, 512>}, {transform_indices = @transform_2, window_bounds = array<i64: 1, 1024, 512>}, {transform_indices = @transform_3, window_bounds = array<i64: 1, 512, 1024>}, {pipeline_mode = #tpu.pipeline_mode<synchronous>, transform_indices = @transform_4, window_bounds = array<i64: 2048, 1024>}]} {
    %eq3A = arith.constant 0 : i32
    %eq3A_0 = arith.cmpi eq, %arg0, %eq3A : i32
    %convert_element_type3A = arith.extui %eq3A_0 : i1 to i32
    %cond3A = arith.constant 0 : i32
    %cond3A_1 = arith.cmpi ne, %convert_element_type3A, %cond3A : i32
    scf.if %cond3A_1 {
      %get3A_44 = arith.constant 0 : index
      %get3A_45 = arith.constant 0 : index
      %get3A_46 = vector.load %arg1[%get3A_44, %get3A_45] : memref<2048x1024xf32, #tpu.memory_space<vmem>>, vector<2048x1024xf32>
      %convert_element_type3A_47 = arith.truncf %get3A_46 : vector<2048x1024xf32> to vector<2048x1024xbf16>
      %swap3A = arith.constant 0 : index
      %swap3A_48 = arith.constant 0 : index
      %swap3A_49 = vector.load %arg6[%swap3A, %swap3A_48] : memref<2048x1024xbf16, #tpu.memory_space<vmem>>, vector<2048x1024xbf16>
      tpu.vector_store %arg6[%swap3A, %swap3A_48], %convert_element_type3A_47 {strides = array<i32>} : memref<2048x1024xbf16, #tpu.memory_space<vmem>>, vector<2048x1024xbf16>,
    } else {
    }
    %get3A = arith.constant 0 : index
    %get3A_2 = arith.constant 0 : index
    %get3A_3 = vector.load %arg6[%get3A, %get3A_2] : memref<2048x1024xbf16, #tpu.memory_space<vmem>>, vector<2048x1024xbf16>
    %get3A_4 = arith.constant 0 : index
    %get3A_5 = arith.constant 0 : index
    %get3A_6 = arith.constant 0 : index
    %get3A_7 = vector.load %arg2[%get3A_4, %get3A_5, %get3A_6] : memref<1x1024x512xf32, #tpu.memory_space<vmem>>, vector<1x1024x512xf32>
    %get3A_8 = vector.shape_cast %get3A_7 : vector<1x1024x512xf32> to vector<1024x512xf32>
    %convert_element_type3A_9 = arith.truncf %get3A_8 : vector<1024x512xf32> to vector<1024x512xbf16>
    %dot_general3A = arith.constant dense<0.000000e+00> : vector<2048x512xf32>
    %dot_general3A_10 = tpu.matmul %get3A_3, %convert_element_type3A_9, %dot_general3A {dimension_numbers = #tpu.dot_dimension_numbers<[1], [0], [0], [1], [0, 0, 1, 1], [], []>, transpose_lhs_hint = false} : vector<2048x1024xbf16>, vector<1024x512xbf16>, vector<2048x512xf32> -> vector<2048x512xf32>
    %get3A_11 = arith.constant 0 : index
    %get3A_12 = arith.constant 0 : index
    %get3A_13 = arith.constant 0 : index
    %get3A_14 = vector.load %arg3[%get3A_11, %get3A_12, %get3A_13] : memref<1x1024x512xf32, #tpu.memory_space<vmem>>, vector<1x1024x512xf32>
    %get3A_15 = vector.shape_cast %get3A_14 : vector<1x1024x512xf32> to vector<1024x512xf32>
    %convert_element_type3A_16 = arith.truncf %get3A_15 : vector<1024x512xf32> to vector<1024x512xbf16>
    %dot_general3A_17 = arith.constant dense<0.000000e+00> : vector<2048x512xf32>
    %dot_general3A_18 = tpu.matmul %get3A_3, %convert_element_type3A_16, %dot_general3A_17 {dimension_numbers = #tpu.dot_dimension_numbers<[1], [0], [0], [1], [0, 0, 1, 1], [], []>, transpose_lhs_hint = false} : vector<2048x1024xbf16>, vector<1024x512xbf16>, vector<2048x512xf32> -> vector<2048x512xf32>
    %neg3A = arith.constant 0.000000e+00 : f32
    %neg3A_19 = vector.broadcast %neg3A : f32 to vector<2048x512xf32>
    %neg3A_20 = arith.subf %neg3A_19, %dot_general3A_10 : vector<2048x512xf32>
    %exp3A = math.exp %neg3A_20 : vector<2048x512xf32>
    %add3A = arith.constant 1.000000e+00 : f32
    %add3A_21 = vector.broadcast %add3A : f32 to vector<2048x512xf32>
    %add3A_22 = arith.addf %add3A_21, %exp3A : vector<2048x512xf32>
    %div3A = arith.constant 1.000000e+00 : f32
    %div3A_23 = vector.broadcast %div3A : f32 to vector<2048x512xf32>
    %div3A_24 = arith.divf %div3A_23, %add3A_22 : vector<2048x512xf32>
    %mul3A = arith.mulf %dot_general3A_10, %div3A_24 : vector<2048x512xf32>
    %mul3A_25 = arith.mulf %mul3A, %dot_general3A_18 : vector<2048x512xf32>
    %convert_element_type3A_26 = arith.truncf %mul3A_25 : vector<2048x512xf32> to vector<2048x512xbf16>
    %get3A_27 = arith.constant 0 : index
    %get3A_28 = arith.constant 0 : index
    %get3A_29 = arith.constant 0 : index
    %get3A_30 = vector.load %arg4[%get3A_27, %get3A_28, %get3A_29] : memref<1x512x1024xf32, #tpu.memory_space<vmem>>, vector<1x512x1024xf32>
    %get3A_31 = vector.shape_cast %get3A_30 : vector<1x512x1024xf32> to vector<512x1024xf32>
    %convert_element_type3A_32 = arith.truncf %get3A_31 : vector<512x1024xf32> to vector<512x1024xbf16>
    %dot_general3A_33 = arith.constant dense<0.000000e+00> : vector<2048x1024xf32>
    %dot_general3A_34 = tpu.matmul %convert_element_type3A_26, %convert_element_type3A_32, %dot_general3A_33 {dimension_numbers = #tpu.dot_dimension_numbers<[1], [0], [0], [1], [0, 0, 1, 1], [], []>, transpose_lhs_hint = false} : vector<2048x512xbf16>, vector<512x1024xbf16>, vector<2048x1024xf32> -> vector<2048x1024xf32>
    %eq3A_35 = arith.constant 0 : i32
    %eq3A_36 = arith.cmpi eq, %arg0, %eq3A_35 : i32
    %convert_element_type3A_37 = arith.extui %eq3A_36 : i1 to i32
    %cond3A_38 = arith.constant 0 : i32
    %cond3A_39 = arith.cmpi ne, %convert_element_type3A_37, %cond3A_38 : i32
    scf.if %cond3A_39 {
      %swap3A = arith.constant 0 : index
      %swap3A_44 = arith.constant 0 : index
      %swap3A_45 = vector.load %arg5[%swap3A, %swap3A_44] : memref<2048x1024xf32, #tpu.memory_space<vmem>>, vector<2048x1024xf32>
      tpu.vector_store %arg5[%swap3A, %swap3A_44], %dot_general3A_34 {strides = array<i32>} : memref<2048x1024xf32, #tpu.memory_space<vmem>>, vector<2048x1024xf32>,
    } else {
    }
    %ne3A = arith.constant 0 : i32
    %ne3A_40 = arith.cmpi ne, %arg0, %ne3A : i32
    %convert_element_type3A_41 = arith.extui %ne3A_40 : i1 to i32
    %cond3A_42 = arith.constant 0 : i32
    %cond3A_43 = arith.cmpi ne, %convert_element_type3A_41, %cond3A_42 : i32
    scf.if %cond3A_43 {
      %get3A_44 = arith.constant 0 : index
      %get3A_45 = arith.constant 0 : index
      %get3A_46 = vector.load %arg5[%get3A_44, %get3A_45] : memref<2048x1024xf32, #tpu.memory_space<vmem>>, vector<2048x1024xf32>
      %add3A_47 = arith.addf %get3A_46, %dot_general3A_34 : vector<2048x1024xf32>
      %swap3A = arith.constant 0 : index
      %swap3A_48 = arith.constant 0 : index
      %swap3A_49 = vector.load %arg5[%swap3A, %swap3A_48] : memref<2048x1024xf32, #tpu.memory_space<vmem>>, vector<2048x1024xf32>
      tpu.vector_store %arg5[%swap3A, %swap3A_48], %add3A_47 {strides = array<i32>} : memref<2048x1024xf32, #tpu.memory_space<vmem>>, vector<2048x1024xf32>,
    } else {
    }
    return
  }
  func.func @transform_0(%arg0: i32) -> (i32, i32) {
    %c0_i32 = arith.constant 0 : i32
    %c0_i32_0 = arith.constant 0 : i32
    %c0_i32_1 = arith.constant 0 : i32
    return %c0_i32, %c0_i32_0 : i32, i32
  }
  func.func @transform_1(%arg0: i32) -> (i32, i32, i32) {
    %c0_i32 = arith.constant 0 : i32
    %c0_i32_0 = arith.constant 0 : i32
    %c0_i32_1 = arith.constant 0 : i32
    return %c0_i32, %c0_i32_0, %arg0 : i32, i32, i32
  }
  func.func @transform_2(%arg0: i32) -> (i32, i32, i32) {
    %c0_i32 = arith.constant 0 : i32
    %c0_i32_0 = arith.constant 0 : i32
    %c0_i32_1 = arith.constant 0 : i32
    return %c0_i32, %c0_i32_0, %arg0 : i32, i32, i32
  }
  func.func @transform_3(%arg0: i32) -> (i32, i32, i32) {
    %c0_i32 = arith.constant 0 : i32
    %c0_i32_0 = arith.constant 0 : i32
    %c0_i32_1 = arith.constant 0 : i32
    return %c0_i32, %arg0, %c0_i32_0 : i32, i32, i32
  }
  func.func @transform_4(%arg0: i32) -> (i32, i32) {
    %c0_i32 = arith.constant 0 : i32
    %c0_i32_0 = arith.constant 0 : i32
    %c0_i32_1 = arith.constant 0 : i32
    return %c0_i32, %c0_i32_0 : i32, i32
  }
}

module attributes {stable_mosaic.version = 14 : i64} {
  func.func @_shared_body(%arg0: i32, %arg1: memref<2048x1024xf32, #tpu.memory_space<vmem>>, %arg2: memref<1x1024x512xf32, #tpu.memory_space<vmem>>, %arg3: memref<1x1024x512xf32, #tpu.memory_space<vmem>>, %arg4: memref<1x512x1024xf32, #tpu.memory_space<vmem>>, %arg5: memref<2048x1024xf32, #tpu.memory_space<vmem>>, %arg6: memref<2048x1024xbf16, #tpu.memory_space<vmem>>) attributes {dimension_semantics = [#tpu.dimension_semantics<arbitrary>], iteration_bounds = array<i64: 4>, scalar_prefetch = 0 : i64, scratch_operands = 1 : i64, tpu.core_type = #tpu.core_type<tc>, window_params = [{pipeline_mode = #tpu.pipeline_mode<synchronous>, transform_indices = @transform_0, window_bounds = array<i64: 2048, 1024>}, {transform_indices = @transform_1, window_bounds = array<i64: 1, 1024, 512>}, {transform_indices = @transform_2, window_bounds = array<i64: 1, 1024, 512>}, {transform_indices = @transform_3, window_bounds = array<i64: 1, 512, 1024>}, {pipeline_mode = #tpu.pipeline_mode<synchronous>, transform_indices = @transform_4, window_bounds = array<i64: 2048, 1024>}]} {
    %eq3A = arith.constant 0 : i32
    %eq3A_0 = arith.cmpi eq, %arg0, %eq3A : i32
    %convert_element_type3A = arith.extui %eq3A_0 : i1 to i32
    %cond3A = arith.constant 0 : i32
    %cond3A_1 = arith.cmpi ne, %convert_element_type3A, %cond3A : i32
    scf.if %cond3A_1 {
      %get3A_44 = arith.constant 0 : index
      %get3A_45 = arith.constant 0 : index
      %get3A_46 = vector.load %arg1[%get3A_44, %get3A_45] : memref<2048x1024xf32, #tpu.memory_space<vmem>>, vector<2048x1024xf32>
      %convert_element_type3A_47 = arith.truncf %get3A_46 : vector<2048x1024xf32> to vector<2048x1024xbf16>
      %swap3A = arith.constant 0 : index
      %swap3A_48 = arith.constant 0 : index
      %swap3A_49 = vector.load %arg6[%swap3A, %swap3A_48] : memref<2048x1024xbf16, #tpu.memory_space<vmem>>, vector<2048x1024xbf16>
      tpu.vector_store %arg6[%swap3A, %swap3A_48], %convert_element_type3A_47 {strides = array<i32>} : memref<2048x1024xbf16, #tpu.memory_space<vmem>>, vector<2048x1024xbf16>,
    } else {
    }
    %get3A = arith.constant 0 : index
    %get3A_2 = arith.constant 0 : index
    %get3A_3 = vector.load %arg6[%get3A, %get3A_2] : memref<2048x1024xbf16, #tpu.memory_space<vmem>>, vector<2048x1024xbf16>
    %get3A_4 = arith.constant 0 : index
    %get3A_5 = arith.constant 0 : index
    %get3A_6 = arith.constant 0 : index
    %get3A_7 = vector.load %arg2[%get3A_4, %get3A_5, %get3A_6] : memref<1x1024x512xf32, #tpu.memory_space<vmem>>, vector<1x1024x512xf32>
    %get3A_8 = vector.shape_cast %get3A_7 : vector<1x1024x512xf32> to vector<1024x512xf32>
    %convert_element_type3A_9 = arith.truncf %get3A_8 : vector<1024x512xf32> to vector<1024x512xbf16>
    %dot_general3A = arith.constant dense<0.000000e+00> : vector<2048x512xf32>
    %dot_general3A_10 = tpu.matmul %get3A_3, %convert_element_type3A_9, %dot_general3A {dimension_numbers = #tpu.dot_dimension_numbers<[1], [0], [0], [1], [0, 0, 1, 1], [], []>, transpose_lhs_hint = false} : vector<2048x1024xbf16>, vector<1024x512xbf16>, vector<2048x512xf32> -> vector<2048x512xf32>
    %get3A_11 = arith.constant 0 : index
    %get3A_12 = arith.constant 0 : index
    %get3A_13 = arith.constant 0 : index
    %get3A_14 = vector.load %arg3[%get3A_11, %get3A_12, %get3A_13] : memref<1x1024x512xf32, #tpu.memory_space<vmem>>, vector<1x1024x512xf32>
    %get3A_15 = vector.shape_cast %get3A_14 : vector<1x1024x512xf32> to vector<1024x512xf32>
    %convert_element_type3A_16 = arith.truncf %get3A_15 : vector<1024x512xf32> to vector<1024x512xbf16>
    %dot_general3A_17 = arith.constant dense<0.000000e+00> : vector<2048x512xf32>
    %dot_general3A_18 = tpu.matmul %get3A_3, %convert_element_type3A_16, %dot_general3A_17 {dimension_numbers = #tpu.dot_dimension_numbers<[1], [0], [0], [1], [0, 0, 1, 1], [], []>, transpose_lhs_hint = false} : vector<2048x1024xbf16>, vector<1024x512xbf16>, vector<2048x512xf32> -> vector<2048x512xf32>
    %neg3A = arith.constant 0.000000e+00 : f32
    %neg3A_19 = vector.broadcast %neg3A : f32 to vector<2048x512xf32>
    %neg3A_20 = arith.subf %neg3A_19, %dot_general3A_10 : vector<2048x512xf32>
    %exp3A = math.exp %neg3A_20 : vector<2048x512xf32>
    %add3A = arith.constant 1.000000e+00 : f32
    %add3A_21 = vector.broadcast %add3A : f32 to vector<2048x512xf32>
    %add3A_22 = arith.addf %add3A_21, %exp3A : vector<2048x512xf32>
    %div3A = arith.constant 1.000000e+00 : f32
    %div3A_23 = vector.broadcast %div3A : f32 to vector<2048x512xf32>
    %div3A_24 = arith.divf %div3A_23, %add3A_22 : vector<2048x512xf32>
    %mul3A = arith.mulf %dot_general3A_10, %div3A_24 : vector<2048x512xf32>
    %mul3A_25 = arith.mulf %mul3A, %dot_general3A_18 : vector<2048x512xf32>
    %convert_element_type3A_26 = arith.truncf %mul3A_25 : vector<2048x512xf32> to vector<2048x512xbf16>
    %get3A_27 = arith.constant 0 : index
    %get3A_28 = arith.constant 0 : index
    %get3A_29 = arith.constant 0 : index
    %get3A_30 = vector.load %arg4[%get3A_27, %get3A_28, %get3A_29] : memref<1x512x1024xf32, #tpu.memory_space<vmem>>, vector<1x512x1024xf32>
    %get3A_31 = vector.shape_cast %get3A_30 : vector<1x512x1024xf32> to vector<512x1024xf32>
    %convert_element_type3A_32 = arith.truncf %get3A_31 : vector<512x1024xf32> to vector<512x1024xbf16>
    %dot_general3A_33 = arith.constant dense<0.000000e+00> : vector<2048x1024xf32>
    %dot_general3A_34 = tpu.matmul %convert_element_type3A_26, %convert_element_type3A_32, %dot_general3A_33 {dimension_numbers = #tpu.dot_dimension_numbers<[1], [0], [0], [1], [0, 0, 1, 1], [], []>, transpose_lhs_hint = false} : vector<2048x512xbf16>, vector<512x1024xbf16>, vector<2048x1024xf32> -> vector<2048x1024xf32>
    %eq3A_35 = arith.constant 0 : i32
    %eq3A_36 = arith.cmpi eq, %arg0, %eq3A_35 : i32
    %convert_element_type3A_37 = arith.extui %eq3A_36 : i1 to i32
    %cond3A_38 = arith.constant 0 : i32
    %cond3A_39 = arith.cmpi ne, %convert_element_type3A_37, %cond3A_38 : i32
    scf.if %cond3A_39 {
      %swap3A = arith.constant 0 : index
      %swap3A_44 = arith.constant 0 : index
      %swap3A_45 = vector.load %arg5[%swap3A, %swap3A_44] : memref<2048x1024xf32, #tpu.memory_space<vmem>>, vector<2048x1024xf32>
      tpu.vector_store %arg5[%swap3A, %swap3A_44], %dot_general3A_34 {strides = array<i32>} : memref<2048x1024xf32, #tpu.memory_space<vmem>>, vector<2048x1024xf32>,
    } else {
    }
    %ne3A = arith.constant 0 : i32
    %ne3A_40 = arith.cmpi ne, %arg0, %ne3A : i32
    %convert_element_type3A_41 = arith.extui %ne3A_40 : i1 to i32
    %cond3A_42 = arith.constant 0 : i32
    %cond3A_43 = arith.cmpi ne, %convert_element_type3A_41, %cond3A_42 : i32
    scf.if %cond3A_43 {
      %get3A_44 = arith.constant 0 : index
      %get3A_45 = arith.constant 0 : index
      %get3A_46 = vector.load %arg5[%get3A_44, %get3A_45] : memref<2048x1024xf32, #tpu.memory_space<vmem>>, vector<2048x1024xf32>
      %add3A_47 = arith.addf %get3A_46, %dot_general3A_34 : vector<2048x1024xf32>
      %swap3A = arith.constant 0 : index
      %swap3A_48 = arith.constant 0 : index
      %swap3A_49 = vector.load %arg5[%swap3A, %swap3A_48] : memref<2048x1024xf32, #tpu.memory_space<vmem>>, vector<2048x1024xf32>
      tpu.vector_store %arg5[%swap3A, %swap3A_48], %add3A_47 {strides = array<i32>} : memref<2048x1024xf32, #tpu.memory_space<vmem>>, vector<2048x1024xf32>,
    } else {
    }
    return
  }
  func.func @transform_0(%arg0: i32) -> (i32, i32) {
    %c0_i32 = arith.constant 0 : i32
    %c0_i32_0 = arith.constant 0 : i32
    %c0_i32_1 = arith.constant 0 : i32
    return %c0_i32, %c0_i32_0 : i32, i32
  }
  func.func @transform_1(%arg0: i32) -> (i32, i32, i32) {
    %c1_i32 = arith.constant 1 : i32
    %c0_i32 = arith.constant 0 : i32
    %c0_i32_0 = arith.constant 0 : i32
    return %c1_i32, %c0_i32, %arg0 : i32, i32, i32
  }
  func.func @transform_2(%arg0: i32) -> (i32, i32, i32) {
    %c1_i32 = arith.constant 1 : i32
    %c0_i32 = arith.constant 0 : i32
    %c0_i32_0 = arith.constant 0 : i32
    return %c1_i32, %c0_i32, %arg0 : i32, i32, i32
  }
  func.func @transform_3(%arg0: i32) -> (i32, i32, i32) {
    %c1_i32 = arith.constant 1 : i32
    %c0_i32 = arith.constant 0 : i32
    %c0_i32_0 = arith.constant 0 : i32
    return %c1_i32, %arg0, %c0_i32 : i32, i32, i32
  }
  func.func @transform_4(%arg0: i32) -> (i32, i32) {
    %c0_i32 = arith.constant 0 : i32
    %c0_i32_0 = arith.constant 0 : i32
    %c0_i32_1 = arith.constant 0 : i32
    return %c0_i32, %c0_i32_0 : i32, i32
  }
}

module attributes {stable_mosaic.version = 14 : i64} {
  func.func @_assemble_body(%arg0: i32, %arg1: memref<512x1024xf32, #tpu.memory_space<vmem>>, %arg2: memref<512x1024xf32, #tpu.memory_space<vmem>>, %arg3: memref<512x1024xf32, #tpu.memory_space<vmem>>, %arg4: memref<512x1024xf32, #tpu.memory_space<vmem>>, %arg5: memref<512x1xf32, #tpu.memory_space<vmem>>, %arg6: memref<1x16xi32, #tpu.memory_space<smem>>, %arg7: memref<512x1024xf32, #tpu.memory_space<vmem>>, %arg8: memref<1x1xf32, #tpu.memory_space<vmem>>) attributes {dimension_semantics = [#tpu.dimension_semantics<arbitrary>], iteration_bounds = array<i64: 4>, scalar_prefetch = 0 : i64, scratch_operands = 0 : i64, tpu.core_type = #tpu.core_type<tc>, window_params = [{transform_indices = @transform_0, window_bounds = array<i64: 512, 1024>}, {transform_indices = @transform_1, window_bounds = array<i64: 512, 1024>}, {transform_indices = @transform_2, window_bounds = array<i64: 512, 1024>}, {transform_indices = @transform_3, window_bounds = array<i64: 512, 1024>}, {transform_indices = @transform_4, window_bounds = array<i64: 512, 1>}, {transform_indices = @transform_5, window_bounds = array<i64: 1, 16>}, {transform_indices = @transform_6, window_bounds = array<i64: 512, 1024>}, {pipeline_mode = #tpu.pipeline_mode<synchronous>, transform_indices = @transform_7, window_bounds = array<i64: 1, 1>}]} {
    %get3A = arith.constant 0 : index
    %get3A_0 = arith.constant 0 : index
    %get3A_1 = vector.load %arg5[%get3A, %get3A_0] : memref<512x1xf32, #tpu.memory_space<vmem>>, vector<512x1xf32>
    %get3A_2 = arith.constant 0 : index
    %get3A_3 = arith.constant 0 : index
    %get3A_4 = vector.load %arg1[%get3A_2, %get3A_3] : memref<512x1024xf32, #tpu.memory_space<vmem>>, vector<512x1024xf32>
    %get3A_5 = arith.constant 0 : index
    %get3A_6 = arith.constant 0 : index
    %get3A_7 = vector.load %arg2[%get3A_5, %get3A_6] : memref<512x1024xf32, #tpu.memory_space<vmem>>, vector<512x1024xf32>
    %get3A_8 = arith.constant 0 : index
    %get3A_9 = arith.constant 0 : index
    %get3A_10 = vector.load %arg3[%get3A_8, %get3A_9] : memref<512x1024xf32, #tpu.memory_space<vmem>>, vector<512x1024xf32>
    %add3A = arith.addf %get3A_7, %get3A_10 : vector<512x1024xf32>
    %get3A_11 = arith.constant 0 : index
    %get3A_12 = arith.constant 0 : index
    %get3A_13 = vector.load %arg4[%get3A_11, %get3A_12] : memref<512x1024xf32, #tpu.memory_space<vmem>>, vector<512x1024xf32>
    %mul3A = vector.broadcast %get3A_1 : vector<512x1xf32> to vector<512x1024xf32>
    %mul3A_14 = arith.mulf %mul3A, %get3A_13 : vector<512x1024xf32>
    %add3A_15 = arith.addf %add3A, %mul3A_14 : vector<512x1024xf32>
    %sub3A = arith.constant 1.000000e+00 : f32
    %sub3A_16 = vector.broadcast %sub3A : f32 to vector<512x1xf32>
    %sub3A_17 = arith.subf %sub3A_16, %get3A_1 : vector<512x1xf32>
    %mul3A_18 = vector.broadcast %sub3A_17 : vector<512x1xf32> to vector<512x1024xf32>
    %mul3A_19 = arith.mulf %mul3A_18, %get3A_4 : vector<512x1024xf32>
    %add3A_20 = arith.addf %add3A_15, %mul3A_19 : vector<512x1024xf32>
    %swap3A = arith.constant 0 : index
    %swap3A_21 = arith.constant 0 : index
    %swap3A_22 = vector.load %arg7[%swap3A, %swap3A_21] : memref<512x1024xf32, #tpu.memory_space<vmem>>, vector<512x1024xf32>
    tpu.vector_store %arg7[%swap3A, %swap3A_21], %add3A_20 {strides = array<i32>} : memref<512x1024xf32, #tpu.memory_space<vmem>>, vector<512x1024xf32>,
    %eq3A = arith.constant 0 : i32
    %eq3A_23 = arith.cmpi eq, %arg0, %eq3A : i32
    %convert_element_type3A = arith.extui %eq3A_23 : i1 to i32
    %cond3A = arith.constant 0 : i32
    %cond3A_24 = arith.cmpi ne, %convert_element_type3A, %cond3A : i32
    scf.if %cond3A_24 {
      %get3A_25 = arith.constant 0 : index
      %get3A_26 = arith.constant 0 : index
      %get3A_27 = memref.load %arg6[%get3A_25, %get3A_26] : memref<1x16xi32, #tpu.memory_space<smem>>
      %convert_element_type3A_28 = arith.sitofp %get3A_27 : i32 to f32
      %add3A_29 = arith.constant 0.000000e+00 : f32
      %add3A_30 = arith.addf %add3A_29, %convert_element_type3A_28 : f32
      %get3A_31 = arith.constant 0 : index
      %get3A_32 = arith.constant 1 : index
      %get3A_33 = memref.load %arg6[%get3A_31, %get3A_32] : memref<1x16xi32, #tpu.memory_space<smem>>
      %convert_element_type3A_34 = arith.sitofp %get3A_33 : i32 to f32
      %add3A_35 = arith.addf %add3A_30, %convert_element_type3A_34 : f32
      %get3A_36 = arith.constant 0 : index
      %get3A_37 = arith.constant 2 : index
      %get3A_38 = memref.load %arg6[%get3A_36, %get3A_37] : memref<1x16xi32, #tpu.memory_space<smem>>
      %convert_element_type3A_39 = arith.sitofp %get3A_38 : i32 to f32
      %add3A_40 = arith.addf %add3A_35, %convert_element_type3A_39 : f32
      %get3A_41 = arith.constant 0 : index
      %get3A_42 = arith.constant 3 : index
      %get3A_43 = memref.load %arg6[%get3A_41, %get3A_42] : memref<1x16xi32, #tpu.memory_space<smem>>
      %convert_element_type3A_44 = arith.sitofp %get3A_43 : i32 to f32
      %add3A_45 = arith.addf %add3A_40, %convert_element_type3A_44 : f32
      %get3A_46 = arith.constant 0 : index
      %get3A_47 = arith.constant 4 : index
      %get3A_48 = memref.load %arg6[%get3A_46, %get3A_47] : memref<1x16xi32, #tpu.memory_space<smem>>
      %convert_element_type3A_49 = arith.sitofp %get3A_48 : i32 to f32
      %add3A_50 = arith.addf %add3A_45, %convert_element_type3A_49 : f32
      %get3A_51 = arith.constant 0 : index
      %get3A_52 = arith.constant 5 : index
      %get3A_53 = memref.load %arg6[%get3A_51, %get3A_52] : memref<1x16xi32, #tpu.memory_space<smem>>
      %convert_element_type3A_54 = arith.sitofp %get3A_53 : i32 to f32
      %add3A_55 = arith.addf %add3A_50, %convert_element_type3A_54 : f32
      %get3A_56 = arith.constant 0 : index
      %get3A_57 = arith.constant 6 : index
      %get3A_58 = memref.load %arg6[%get3A_56, %get3A_57] : memref<1x16xi32, #tpu.memory_space<smem>>
      %convert_element_type3A_59 = arith.sitofp %get3A_58 : i32 to f32
      %add3A_60 = arith.addf %add3A_55, %convert_element_type3A_59 : f32
      %get3A_61 = arith.constant 0 : index
      %get3A_62 = arith.constant 7 : index
      %get3A_63 = memref.load %arg6[%get3A_61, %get3A_62] : memref<1x16xi32, #tpu.memory_space<smem>>
      %convert_element_type3A_64 = arith.sitofp %get3A_63 : i32 to f32
      %add3A_65 = arith.addf %add3A_60, %convert_element_type3A_64 : f32
      %div3A = arith.constant 8.000000e+00 : f32
      %div3A_66 = arith.divf %add3A_65, %div3A : f32
      %get3A_67 = arith.constant 0 : index
      %get3A_68 = arith.constant 0 : index
      %get3A_69 = memref.load %arg6[%get3A_67, %get3A_68] : memref<1x16xi32, #tpu.memory_space<smem>>
      %convert_element_type3A_70 = arith.sitofp %get3A_69 : i32 to f32
      %sub3A_71 = arith.subf %convert_element_type3A_70, %div3A_66 : f32
      %mul3A_72 = arith.mulf %sub3A_71, %sub3A_71 : f32
      %add3A_73 = arith.constant 0.000000e+00 : f32
      %add3A_74 = arith.addf %add3A_73, %mul3A_72 : f32
      %get3A_75 = arith.constant 0 : index
      %get3A_76 = arith.constant 1 : index
      %get3A_77 = memref.load %arg6[%get3A_75, %get3A_76] : memref<1x16xi32, #tpu.memory_space<smem>>
      %convert_element_type3A_78 = arith.sitofp %get3A_77 : i32 to f32
      %sub3A_79 = arith.subf %convert_element_type3A_78, %div3A_66 : f32
      %mul3A_80 = arith.mulf %sub3A_79, %sub3A_79 : f32
      %add3A_81 = arith.addf %add3A_74, %mul3A_80 : f32
      %get3A_82 = arith.constant 0 : index
      %get3A_83 = arith.constant 2 : index
      %get3A_84 = memref.load %arg6[%get3A_82, %get3A_83] : memref<1x16xi32, #tpu.memory_space<smem>>
      %convert_element_type3A_85 = arith.sitofp %get3A_84 : i32 to f32
      %sub3A_86 = arith.subf %convert_element_type3A_85, %div3A_66 : f32
      %mul3A_87 = arith.mulf %sub3A_86, %sub3A_86 : f32
      %add3A_88 = arith.addf %add3A_81, %mul3A_87 : f32
      %get3A_89 = arith.constant 0 : index
      %get3A_90 = arith.constant 3 : index
      %get3A_91 = memref.load %arg6[%get3A_89, %get3A_90] : memref<1x16xi32, #tpu.memory_space<smem>>
      %convert_element_type3A_92 = arith.sitofp %get3A_91 : i32 to f32
      %sub3A_93 = arith.subf %convert_element_type3A_92, %div3A_66 : f32
      %mul3A_94 = arith.mulf %sub3A_93, %sub3A_93 : f32
      %add3A_95 = arith.addf %add3A_88, %mul3A_94 : f32
      %get3A_96 = arith.constant 0 : index
      %get3A_97 = arith.constant 4 : index
      %get3A_98 = memref.load %arg6[%get3A_96, %get3A_97] : memref<1x16xi32, #tpu.memory_space<smem>>
      %convert_element_type3A_99 = arith.sitofp %get3A_98 : i32 to f32
      %sub3A_100 = arith.subf %convert_element_type3A_99, %div3A_66 : f32
      %mul3A_101 = arith.mulf %sub3A_100, %sub3A_100 : f32
      %add3A_102 = arith.addf %add3A_95, %mul3A_101 : f32
      %get3A_103 = arith.constant 0 : index
      %get3A_104 = arith.constant 5 : index
      %get3A_105 = memref.load %arg6[%get3A_103, %get3A_104] : memref<1x16xi32, #tpu.memory_space<smem>>
      %convert_element_type3A_106 = arith.sitofp %get3A_105 : i32 to f32
      %sub3A_107 = arith.subf %convert_element_type3A_106, %div3A_66 : f32
      %mul3A_108 = arith.mulf %sub3A_107, %sub3A_107 : f32
      %add3A_109 = arith.addf %add3A_102, %mul3A_108 : f32
      %get3A_110 = arith.constant 0 : index
      %get3A_111 = arith.constant 6 : index
      %get3A_112 = memref.load %arg6[%get3A_110, %get3A_111] : memref<1x16xi32, #tpu.memory_space<smem>>
      %convert_element_type3A_113 = arith.sitofp %get3A_112 : i32 to f32
      %sub3A_114 = arith.subf %convert_element_type3A_113, %div3A_66 : f32
      %mul3A_115 = arith.mulf %sub3A_114, %sub3A_114 : f32
      %add3A_116 = arith.addf %add3A_109, %mul3A_115 : f32
      %get3A_117 = arith.constant 0 : index
      %get3A_118 = arith.constant 7 : index
      %get3A_119 = memref.load %arg6[%get3A_117, %get3A_118] : memref<1x16xi32, #tpu.memory_space<smem>>
      %convert_element_type3A_120 = arith.sitofp %get3A_119 : i32 to f32
      %sub3A_121 = arith.subf %convert_element_type3A_120, %div3A_66 : f32
      %mul3A_122 = arith.mulf %sub3A_121, %sub3A_121 : f32
      %add3A_123 = arith.addf %add3A_116, %mul3A_122 : f32
      %div3A_124 = arith.constant 7.000000e+00 : f32
      %div3A_125 = arith.divf %add3A_123, %div3A_124 : f32
      %sqrt3A = math.sqrt %div3A_125 : f32
      %mul3A_126 = arith.constant 8.000000e-02 : f32
      %mul3A_127 = arith.mulf %mul3A_126, %sqrt3A : f32
      %broadcast_in_dim3A = vector.broadcast %mul3A_127 : f32 to vector<1x1xf32>
      %swap3A_128 = arith.constant 0 : index
      %swap3A_129 = arith.constant 0 : index
      %swap3A_130 = vector.load %arg8[%swap3A_128, %swap3A_129] : memref<1x1xf32, #tpu.memory_space<vmem>>, vector<1x1xf32>
      tpu.vector_store %arg8[%swap3A_128, %swap3A_129], %broadcast_in_dim3A {strides = array<i32>} : memref<1x1xf32, #tpu.memory_space<vmem>>, vector<1x1xf32>,
    } else {
    }
    return
  }
  func.func @transform_0(%arg0: i32) -> (i32, i32) {
    %c0_i32 = arith.constant 0 : i32
    %c0_i32_0 = arith.constant 0 : i32
    return %arg0, %c0_i32 : i32, i32
  }
  func.func @transform_1(%arg0: i32) -> (i32, i32) {
    %c0_i32 = arith.constant 0 : i32
    %c0_i32_0 = arith.constant 0 : i32
    return %arg0, %c0_i32 : i32, i32
  }
  func.func @transform_2(%arg0: i32) -> (i32, i32) {
    %c0_i32 = arith.constant 0 : i32
    %c0_i32_0 = arith.constant 0 : i32
    return %arg0, %c0_i32 : i32, i32
  }
  func.func @transform_3(%arg0: i32) -> (i32, i32) {
    %c0_i32 = arith.constant 0 : i32
    %c0_i32_0 = arith.constant 0 : i32
    return %arg0, %c0_i32 : i32, i32
  }
  func.func @transform_4(%arg0: i32) -> (i32, i32) {
    %c0_i32 = arith.constant 0 : i32
    %c0_i32_0 = arith.constant 0 : i32
    return %arg0, %c0_i32 : i32, i32
  }
  func.func @transform_5(%arg0: i32) -> (i32, i32) {
    %c0_i32 = arith.constant 0 : i32
    %c0_i32_0 = arith.constant 0 : i32
    %c0_i32_1 = arith.constant 0 : i32
    return %c0_i32, %c0_i32_0 : i32, i32
  }
  func.func @transform_6(%arg0: i32) -> (i32, i32) {
    %c0_i32 = arith.constant 0 : i32
    %c0_i32_0 = arith.constant 0 : i32
    return %arg0, %c0_i32 : i32, i32
  }
  func.func @transform_7(%arg0: i32) -> (i32, i32) {
    %c0_i32 = arith.constant 0 : i32
    %c0_i32_0 = arith.constant 0 : i32
    %c0_i32_1 = arith.constant 0 : i32
    return %c0_i32, %c0_i32_0 : i32, i32
  }
}

</mosaic_0001>

<sc_bundles>
// kernel: kernel.12.cloned.1.call-start
scs
__scs_entry_jumppad:
0x0: {  	(pc) =	sbr.rel $0x88, $3  }
0x1: {  	(tag) =	ssettag $0x0;
	lr =	simm.s32 $0x1  }
0x2: {  	[smem:$0x3F99] =	sst lr;
	_ =	strace $0xD0000000  }
0x3: {  	_ = 	snop  }
0x4: {  	_ = 	snop  }
0x5: {  	_ = 	snop  }
0x6: {  	_ = 	snop  }
0x7: {  	_ = 	snop  }
__scs_overlays_trampoline_lowered:
0x8: {  	[smem:$0x3FA8] =	sst s0  }
0x9: {  	[smem:$0x3FA9] =	sst s1  }
0xa: {  	[smem:$0x3FAA] =	sst s2  }
0xb: {  	[smem:$0x3FAB] =	sst s3  }
0xc: {  	[smem:$0x3FAC] =	sst s4  }
0xd: {  	[smem:$0x3FAD] =	sst s5  }
0xe: {  	[smem:$0x3FAE] =	sst s6  }
0xf: {  	[smem:$0x3FAF] =	sst s7  }
0x10: {  	[smem:$0x3FB0] =	sst s8  }
0x11: {  	[smem:$0x3FB1] =	sst s9;
	s0 =	simm.s32 @!p0 $0x0  }
0x12: {  	s1 =	sld [smem:$0x3F97];
	s0 =	simm.s32 @p0 $0x1  }
0x13: {  	[smem:$0x3FB2] =	sst s0;
	s0 =	simm.s32 @!p1 $0x0  }
0x14: {  	s2 =	sld [smem:$0x3F96];
	s0 =	simm.s32 @p1 $0x1  }
0x15: {  	[smem:$0x3FB3] =	sst s0;
	s0 =	simm.s32 @!p2 $0x0  }
0x16: {  	s3 =	sld [smem:$0x3FDB];
	s0 =	simm.s32 @p2 $0x1  }
0x17: {  	s4 =	simm.s32 $0x1BF5;
	[smem:$0x3FB5] =	sst s0  }
0x18: {  	s0 =	sld [smem:$0x3F98];
	_ =	swait.ge [sflag:s4], $0x0  }
0x19: {  	s7 =	sld [smem:$0x3F99]  }
0x1a: {  	s8 =	sadd.s32 $0xFFFFE003, lr  }
0x1b: {  	s9 =	sadd.s32 $0xFFFFFEF7, lr;
	s5 =	simm.s32 $0xFFFFFFFF;
	p2 =	slt.u32 s8, $0xFFFFF086  }
0x1c: {  	p1 =	slt.u32 s9, $0xF7A;
	s5 =	simm.s32 @!p2 $0x0  }
0x1d: {  	s5 =	simm.s32 @p1 $0x1;
	p0 =	seq.s32 s7, s2  }
0x1e: {  	s7 =	smul.u32 @!p0 $0xF7A, s2;
	p2 =	seq.s32 @!p0 s5, $0x0  }
0x1f: {  	s9 =	smul.u32 $0xF7A, s1;
	s8 =	simm.s32 @!p0 $0x1BF5;
	p2 =	por !p2, p0  }
0x20: {  	[sflag:s8] =	ssyncset.s32 @!p0 $0xFFFFF086;
	s6 =	sadd.s32 @!p0 s3, s7;
	s7 =	simm.s32 @!p0 $0x108  }
0x21: {  	s3 =	sadd.s32 s3, s9;
	s6 =	sadd.s32 @!p0 $0x88, s6;
	s7 =	simm.s32 @p2 $0x1082  }
0x22: {  	[simem:s7], [sflag:s8] =	dma.local @!p0 [hbm:s6], $0xF7A  }
0x23: {  	s9 =	sor.u32 $0xD0000000, s2;
	s6 =	simm.s32 $0x108;
	_ =	swait.ge @!p0 [sflag:s8], $0x0  }
0x24: {  	s3 =	sadd.s32 $0x88, s3;
	s6 =	simm.s32 @!p1 $0x1082;
	[sflag:s4] =	ssyncset.s32 $0xFFFFF086  }
0x25: {  	[simem:s6], [sflag:s4] =	dma.local [hbm:s3], $0xF7A  }
0x26: {  	[smem:$0x3F99] =	sst s1;
	(tag) =	ssettag s2;
	_ =	strace s9  }
0x27: {  	s1 =	sld [smem:$0x3FA9]  }
0x28: {  	s2 =	sld [smem:$0x3FAA]  }
0x29: {  	s4 =	sld [smem:$0x3FAC]  }
0x2a: {  	p0 =	seq.s32 s5, $0x0;
	s5 =	sld [smem:$0x3FAD]  }
0x2b: {  	s6 =	sld [smem:$0x3FAE]  }
0x2c: {  	s7 =	sld [smem:$0x3FAF]  }
0x2d: {  	s3 =	simm.s32 $0x108;
	s8 =	sld [smem:$0x3FB0]  }
0x2e: {  	s3 =	simm.s32 @!p0 $0x1082;
	s9 =	sld [smem:$0x3FB1]  }
0x2f: {  	lr =	sadd.s32 s0, s3;
	s0 =	sld [smem:$0x3FA8]  }
0x30: {  	s3 =	sld [smem:$0x3FAB]  }
0x31: {  	[smem:$0x3FB4] =	sst s10  }
0x32: {  	s10 =	sld [smem:$0x3FB2];
	_ =	sdelay $0x3  }
0x33: {  	p0 =	seq.s32 s10, $0x1;
	s10 =	sld [smem:$0x3FB4];
	_ =	sdelay $0x3  }
0x34: {  	[smem:$0x3FB4] =	sst s10  }
0x35: {  	s10 =	sld [smem:$0x3FB3];
	_ =	sdelay $0x3  }
0x36: {  	p1 =	seq.s32 s10, $0x1;
	s10 =	sld [smem:$0x3FB4];
	_ =	sdelay $0x3  }
0x37: {  	[smem:$0x3FB4] =	sst s10  }
0x38: {  	s10 =	sld [smem:$0x3FB5]  }
0x39: {  	_ = 	snop;
	(pc) =	sbr.ind lr, $3  }
0x3a: {  	_ = 	snop  }
0x3b: {  	_ = 	snop  }
0x3c: {  	p2 =	seq.s32 s10, $0x1;
	s10 =	sld [smem:$0x3FB4]  }
0x3d: {  	_ =	shalt  }
0x3e: {  	_ =	shalt  }
0x3f: {  	_ =	shalt  }
0x40: {  	_ =	shalt  }
0x41: {  	_ =	shalt  }
0x42: {  	_ =	shalt  }
0x43: {  	_ =	shalt  }
0x44: {  	_ =	shalt  }
0x45: {  	_ =	shalt  }
0x46: {  	_ =	shalt  }
0x47: {  	_ =	shalt  }
0x48: {  	_ =	shalt  }
0x49: {  	_ =	shalt  }
0x4a: {  	_ =	shalt  }
0x4b: {  	_ =	shalt  }
0x4c: {  	_ =	shalt  }
0x4d: {  	_ =	shalt  }
0x4e: {  	_ =	shalt  }
0x4f: {  	_ =	shalt  }
0x50: {  	_ =	shalt  }
0x51: {  	_ =	shalt  }
0x52: {  	_ =	shalt  }
0x53: {  	_ =	shalt  }
0x54: {  	_ =	shalt  }
0x55: {  	_ =	shalt  }
0x56: {  	_ =	shalt  }
0x57: {  	_ =	shalt  }
0x58: {  	_ =	shalt  }
0x59: {  	_ =	shalt  }
0x5a: {  	_ =	shalt  }
0x5b: {  	_ =	shalt  }
0x5c: {  	_ =	shalt  }
0x5d: {  	_ =	shalt  }
0x5e: {  	_ =	shalt  }
0x5f: {  	_ =	shalt  }
0x60: {  	_ =	shalt  }
0x61: {  	_ =	shalt  }
0x62: {  	_ =	shalt  }
0x63: {  	_ =	shalt  }
0x64: {  	_ =	shalt  }
0x65: {  	_ =	shalt  }
0x66: {  	_ =	shalt  }
0x67: {  	_ =	shalt  }
0x68: {  	_ =	shalt  }
0x69: {  	_ =	shalt  }
0x6a: {  	_ =	shalt  }
0x6b: {  	_ =	shalt  }
0x6c: {  	_ =	shalt  }
0x6d: {  	_ =	shalt  }
0x6e: {  	_ =	shalt  }
0x6f: {  	_ =	shalt  }
0x70: {  	_ =	shalt  }
0x71: {  	_ =	shalt  }
0x72: {  	_ =	shalt  }
0x73: {  	_ =	shalt  }
0x74: {  	_ =	shalt  }
0x75: {  	_ =	shalt  }
0x76: {  	_ =	shalt  }
0x77: {  	_ =	shalt  }
0x78: {  	_ =	shalt  }
0x79: {  	_ =	shalt  }
0x7a: {  	_ =	shalt  }
0x7b: {  	_ =	shalt  }
0x7c: {  	_ =	shalt  }
0x7d: {  	_ =	shalt  }
0x7e: {  	_ =	shalt  }
0x7f: {  	_ =	shalt  }
0x80: {  	_ =	shalt  }
0x81: {  	_ =	shalt  }
0x82: {  	_ =	shalt  }
0x83: {  	_ =	shalt  }
0x84: {  	_ =	shalt  }
0x85: {  	_ =	shalt  }
0x86: {  	_ =	shalt  }
0x87: {  	_ =	shalt  }
.Lfunc_end0:
.L_simem_size_0:
called_computation.1_lowered:
.L_overlay_start_0:
0x88: {  	s2 =	sld [smem:$0x3FD9]  }
0x89: {  	s3 =	sld [smem:$0x3FFE];
	_ =	sdelay $0x1  }
0x8a: {  	s1 =	srdreg.scid  }
0x8b: {  	s0 =	sand.u32 $0x1, s1  }
0x8c: {  	s16 =	sshll.u32 s0, $0xA;
	s2 =	sadd.s32 s3, s2  }
0x8d: {  	s2 =	sadd.s32 s2, s16  }
0x8e: {  	[smem:$0x3FC0] =	sst s2  }
0x8f: {  	_ = 	snop  }
0x90: {  	(tm) =	ssettm $0x1  }
0x91: {  	s17 =	sld [smem:$0x3FFB];
	_ =	sdelay $0x3  }
0x92: {  	_ =	strace s17  }
0x93: {  	s2 =	sld [smem:$0x3FFC];
	_ =	sdelay $0x3  }
0x94: {  	_ =	strace s2  }
0x95: {  	s2 =	sld [smem:$0x3FFD];
	_ =	sdelay $0x3  }
0x96: {  	_ =	strace s2  }
0x97: {  	_ =	strace $0x8FFFFFFF  }
0x98: {  	s18 =	sld [smem:$0x3FDB];
	_ =	sdelay $0x1  }
0x99: {  	s19 =	simm.s32 $_scs_section_size  }
0x9a: {  	s4 =	simm.s32 $_size__tile_overlayer_lowered;
	s5 =	simm.s32 $_tile_overlayer_lowered  }
0x9b: {  	s22 =	simm.s32 $0x1BFF;
	s21 =	sshll.u32 s5, $0x1;
	s2 =	sadd.s32 s19, s18  }
0x9c: {  	s6 =	simm.s32 $0x0;
	s20 =	sshll.u32 s4, $0x1;
	s4 =	sadd.s32 s21, s2  }
0x9d: {  	[timem:s6], [sflag:s22] =	dma.local [hbm:s4], s20  }
0x9e: {  	_ =	swait.ge [sflag:s22], s20  }
0x9f: {  	s3 =	ssub.s32 $0x0, s20;
	[sflag:s22] =	ssyncset.done $0x0  }
0xa0: {  	[sflag:s22] =	ssyncadd.s32 s3;
	_ =	sdelay $0x1  }
0xa1: {  	s23 =	simm.s32 $0x1B8B  }
0xa2: {  	_ =	swait.ge [sflag:s23], $0x1  }
0xa3: {  	[sflag:s23] =	ssyncset.done $0x0  }
0xa4: {  	s25 =	simm.s32 $0x1B8E;
	s24 =	sld [smem:$0x3FFE];
	[sflag:s23] =	ssyncadd.s32 $0xFFFFFFFF  }
0xa5: {  	s26 =	simm.s32 $execute0_lowered;
	[smem:$0x3FD2] =	sst s25  }
0xa6: {  	s4 =	sshll.u32 s26, $0x1;
	_ =	strace $0x80000049;
	[dreg:$0x1] =	wrdreg $0xFFFFFFFF  }
0xa7: {  	s28 =	simm.s32 $_size_execute0_lowered;
	s2 =	sadd.s32 s2, s4;
	[dreg:$0x0] =	wrdreg $0x0  }
0xa8: {  	s4 =	sshll.u32 s28, $0x1;
	[dreg:$0x2] =	wrdreg s2  }
0xa9: {  	[dreg:$0x3] =	wrdreg s4  }
0xaa: {  	[dreg:$0x4] =	wrdreg $0xC0  }
0xab: {  	_ =	task [dreg:s6], $0x5FFFF  }
0xac: {  	[dreg:$0x1] =	wrdreg $0xFFFFFFFF  }
0xad: {  	[dreg:$0x0] =	wrdreg $0x60  }
0xae: {  	[dreg:$0x2] =	wrdreg s24  }
0xaf: {  	[dreg:$0x3] =	wrdreg $0x9  }
0xb0: {  	_ =	task.clear_ibuf [dreg:s6], $0x4FFFF;
	_ =	strace $0x90000049  }
0xb1: {  	s29 =	simm.s32 $0x9;
	_ =	strace $0x8000004B  }
0xb2: {  	_ =	swait.ge [sflag:s29], $0x1  }
0xb3: {  	[sflag:s29] =	ssyncadd.s32 $0xFFFFFFFF  }
0xb4: {  	_ =	strace $0x9000004B  }
0xb5: {  	_ =	sfence  }
0xb6: {  	s30 =	sld [smem:$0x0];
	_ =	sdelay $0x2  }
0xb7: {  	s31 =	sshll.u32 s1, $0xD;
	s1 =	sshrl.u32 s1, $0x2  }
0xb8: {  	s3 =	sand.u32 $0x4000, s31;
	s1 =	sadd.s32 s1, s30  }
0xb9: {  	s0 =	sor.u32 s3, s0;
	s1 =	sshll.u32 s1, $0x11  }
0xba: {  	s0 =	sor.u32 s1, s0  }
0xbb: {  	s0 =	sadd.s32 $0x8F2B, s0  }
0xbc: {  	[sflag:s0] =	ssyncadd.remote.s32 $0x1  }
0xbd: {  	_ =	sfence.sel $0xFFFF  }
0xbe: {  	[dreg:$0x0] =	wrdreg $0xFFFFFFFF;
	(pc) =	sbr.abs _section_cstart, $3  }
0xbf: {  	[dreg:$0x1] =	wrdreg $0xFFFFFFFF  }
0xc0: {  	_ =	task.clear_ibuf [dreg:s6], $0x2FFFF;
	_ =	strace $0x9FFFFFFF  }
0xc1: {  	(tm) =	ssettm $0x7FFFFFFF  }
tec
execute0_lowered:
.L_overlay_start_1:
0x0: {  	(tag) =	ssettag $0x1  }
0x1: {  	s1 =	srdreg.scid  }
0x2: {  	s0 =	stileid.u32;
	s6 =	rddreg [dreg:$0x0]  }
0x3: {  	s19 =	simm.s32 $0x880;
	s20 =	simm.s32 $0x1080;
	s21 =	simm.s32 $0x1880  }
0x4: {  	s22 =	simm.s32 $0x2080;
	s23 =	simm.s32 $0x2880;
	s7 =	simm.s32 $0x3080  }
0x5: {  	s24 =	simm.s32 $0x3880;
	s8 =	simm.s32 $0x4080;
	s25 =	simm.s32 $0x4880  }
0x6: {  	s26 =	simm.s32 $0x5080;
	s9 =	simm.s32 $0x80;
	s1 =	sand.u32 $0x1, s1  }
0x7: {  	s11 =	simm.s32 $0x6080;
	s2 =	sshll.u32 s0, $0x7;
	s3 =	sshll.u32 s1, $0x6  }
0x8: {  	s12 =	simm.s32 $0x6880;
	s3 =	sor.u32 s3, s2;
	s2 =	simm.s32 $0x0  }
0x9: {  	s13 =	simm.s32 $0x7080;
	s14 =	simm.s32 $0x7880;
	[smem:$0x7FF] =	sst s2  }
0xa: {  	s15 =	simm.s32 $0x8080;
	_ =	strace $0x8000004A;
	[dreg:$0x4] =	wrdreg s19  }
0xb: {  	s16 =	simm.s32 $0x8880;
	s17 =	simm.s32 $0x9080;
	[dreg:$0x5] =	wrdreg s20  }
0xc: {  	s18 =	simm.s32 $0x9880;
	s28 =	simm.s32 $0xE080;
	[dreg:$0x6] =	wrdreg s21  }
0xd: {  	s29 =	simm.s32 $0xE880;
	s30 =	simm.s32 $0xF080;
	[dreg:$0x7] =	wrdreg s22  }
0xe: {  	s31 =	simm.s32 $0xF880;
	s1 =	ssub.s32 $0x2, s1;
	[dreg:$0x8] =	wrdreg s23  }
0xf: {  	s5 =	sshrl.u32 s1, $0x1;
	s4 =	sshrl.u32 s3, $0x3;
	[dreg:$0x9] =	wrdreg s7  }
0x10: {  	s3 =	sshll.u32 s3, $0x7;
	s1 =	ssub.s32 s1, s5;
	[dreg:$0xa] =	wrdreg s24  }
0x11: {  	s5 =	sadd.s32 $0x1E00, s6;
	s4 =	sadd.s32 s4, s6;
	[dreg:$0xb] =	wrdreg s8  }
0x12: {  	s3 =	sadd.s32 s3, s6;
	s7 =	smax.u32 s1, $0x1;
	[dreg:$0xc] =	wrdreg s25  }
0x13: {  	s8 =	simm.s32 $0x2;
	[dreg:$0xd] =	wrdreg s26;
	s19 =	simm.s32 $0xA080  }
0x14: {  	s20 =	simm.s32 $0xA880;
	s21 =	simm.s32 $0xB080;
	s22 =	simm.s32 $0xB880  }
0x15: {  	s23 =	simm.s32 $0xC080;
	s24 =	simm.s32 $0xC880;
	s4 =	sadd.s32 $0x61E00, s4  }
0x16: {  	v2 =	vlaneseq.u32;
	s25 =	simm.s32 $0xD080;
	s3 =	sadd.s32 $0x62000, s3;
	[dreg:$0x2] =	wrdreg s4  }
0x17: {  	vm0 =	vmmov $0xffff;
	v1 =	vshrl.u32 v2, $0x3;
	s26 =	simm.s32 $0xD880;
	s1 =	simm.s32 $0x1;
	[dreg:$0x3] =	wrdreg s3  }
0x18: {  	v0 =	vand.u32 $0x7, v2;
	v2 =	vor.u32 $0x8, v2;
	v1 =	vmul.u32 $0x8, v1;
	s3 =	sadd.s32 $0x1C00, s6;
	s4 =	sadd.s32 $0x1D00, s6;
	s6 =	sadd.s32 $0x1F00, s6  }
.LBB2_1:
0x19: {  	s0 =	rddreg [dreg:$0x2]  }
0x1a: {  	[tilespmem:s2], [sflag:$0x2] =	stream.linear.gather [hbm4b:s0+s2], $0x40, $0x38;
	[tilespmem:$0x10080] =	vst v63  }
0x1b: {  	_ =	swait.ge [sflag:s8], $0x40  }
0x1c: {  	[sflag:s8] =	ssyncset.done $0x0  }
0x1d: {  	[sflag:s8] =	ssyncadd.s32 $0xFFFFFFC0  }
0x1e: {  	v3 =	vld [tilespmem:$0x0];
	_ =	sdelay $0x4  }
0x1f: {  	v4 =	vshll.u32 v3, $0x3  }
0x20: {  	v3 =	vand.u32 $0x7, v3;
	v4 =	vand.u32 $0xFFFFFFC0, v4  }
0x21: {  	v3 =	vor.u32 v3, v4  }
0x22: {  	v4 =	vperm.xlane v3, v0;
	_ =	sdelay $0x1  }
0x23: {  	v4 =	vadd.s32 v1, v4;
	_ =	sdelay $0x4  }
0x24: {  	[tilespmem:s9], [sflag:$0x1] =	stream.indirect_vreg.gather [hbm4b:s3+s2], $0x80, v4, vm0, $0xb8;
	[tilespmem:$0x10080] =	vst v63  }
0x25: {  	s0 =	rddreg [dreg:$0x4];
	v3 =	vperm.xlane v3, v2  }
0x26: {  	[tilespmem:s0], [sflag:$0x1] =	stream.indirect_vreg.gather [hbm4b:s4+s2], $0x80, v4, vm0, $0xb8;
	[tilespmem:$0x10080] =	vst v63  }
0x27: {  	s10 =	rddreg [dreg:$0x5];
	v3 =	vadd.s32 v1, v3  }
0x28: {  	[tilespmem:s10], [sflag:$0x1] =	stream.indirect_vreg.gather [hbm4b:s5+s2], $0x80, v4, vm0, $0xb8;
	[tilespmem:$0x10080] =	vst v63  }
0x29: {  	s0 =	rddreg [dreg:$0x6]  }
0x2a: {  	[tilespmem:s0], [sflag:$0x1] =	stream.indirect_vreg.gather [hbm4b:s6+s2], $0x80, v4, vm0, $0xb8;
	[tilespmem:$0x10080] =	vst v63  }
0x2b: {  	s10 =	rddreg [dreg:$0x7]  }
0x2c: {  	[tilespmem:s10], [sflag:$0x1] =	stream.indirect_vreg.gather [hbm4b:s3+s2], $0x80, v3, vm0, $0xb8;
	[tilespmem:$0x10080] =	vst v63  }
0x2d: {  	s0 =	rddreg [dreg:$0x8]  }
0x2e: {  	[tilespmem:s0], [sflag:$0x1] =	stream.indirect_vreg.gather [hbm4b:s4+s2], $0x80, v3, vm0, $0xb8;
	[tilespmem:$0x10080] =	vst v63  }
0x2f: {  	s10 =	rddreg [dreg:$0x9]  }
0x30: {  	[tilespmem:s10], [sflag:$0x1] =	stream.indirect_vreg.gather [hbm4b:s5+s2], $0x80, v3, vm0, $0xb8;
	[tilespmem:$0x10080] =	vst v63  }
0x31: {  	s0 =	rddreg [dreg:$0xa]  }
0x32: {  	[tilespmem:s0], [sflag:$0x1] =	stream.indirect_vreg.gather [hbm4b:s6+s2], $0x80, v3, vm0, $0xb8;
	[tilespmem:$0x10080] =	vst v63  }
0x33: {  	v3 =	vld [tilespmem:$0x10];
	_ =	sdelay $0x4  }
0x34: {  	v61 =	vshll.u32 v3, $0x3  }
0x35: {  	v3 =	vand.u32 $0x7, v3;
	v4 =	vand.u32 $0xFFFFFFC0, v61  }
0x36: {  	v3 =	vor.u32 v3, v4  }
0x37: {  	v4 =	vperm.xlane v3, v0;
	_ =	sdelay $0x1  }
0x38: {  	v4 =	vadd.s32 v1, v4;
	_ =	sdelay $0x3  }
0x39: {  	s0 =	rddreg [dreg:$0xb]  }
0x3a: {  	[tilespmem:s0], [sflag:$0x1] =	stream.indirect_vreg.gather [hbm4b:s3+s2], $0x80, v4, vm0, $0xb8;
	[tilespmem:$0x10080] =	vst v63  }
0x3b: {  	s10 =	rddreg [dreg:$0xc];
	v3 =	vperm.xlane v3, v2  }
0x3c: {  	[tilespmem:s10], [sflag:$0x1] =	stream.indirect_vreg.gather [hbm4b:s4+s2], $0x80, v4, vm0, $0xb8;
	[tilespmem:$0x10080] =	vst v63  }
0x3d: {  	v3 =	vadd.s32 v1, v3;
	s0 =	rddreg [dreg:$0xd]  }
0x3e: {  	[tilespmem:s0], [sflag:$0x1] =	stream.indirect_vreg.gather [hbm4b:s5+s2], $0x80, v4, vm0, $0xb8;
	[tilespmem:$0x10080] =	vst v63  }
0x3f: {  	s10 =	simm.s32 $0x5880  }
0x40: {  	[tilespmem:s10], [sflag:$0x1] =	stream.indirect_vreg.gather [hbm4b:s6+s2], $0x80, v4, vm0, $0xb8;
	[tilespmem:$0x10080] =	vst v63  }
0x41: {  	_ = 	snop  }
0x42: {  	[tilespmem:s11], [sflag:$0x1] =	stream.indirect_vreg.gather [hbm4b:s3+s2], $0x80, v3, vm0, $0xb8;
	[tilespmem:$0x10080] =	vst v63  }
0x43: {  	_ = 	snop  }
0x44: {  	[tilespmem:s12], [sflag:$0x1] =	stream.indirect_vreg.gather [hbm4b:s4+s2], $0x80, v3, vm0, $0xb8;
	[tilespmem:$0x10080] =	vst v63  }
0x45: {  	_ = 	snop  }
0x46: {  	[tilespmem:s13], [sflag:$0x1] =	stream.indirect_vreg.gather [hbm4b:s5+s2], $0x80, v3, vm0, $0xb8;
	[tilespmem:$0x10080] =	vst v63  }
0x47: {  	_ = 	snop  }
0x48: {  	[tilespmem:s14], [sflag:$0x1] =	stream.indirect_vreg.gather [hbm4b:s6+s2], $0x80, v3, vm0, $0xb8;
	[tilespmem:$0x10080] =	vst v63  }
0x49: {  	v3 =	vld [tilespmem:$0x20];
	_ =	sdelay $0x4  }
0x4a: {  	v62 =	vshll.u32 v3, $0x3  }
0x4b: {  	v3 =	vand.u32 $0x7, v3;
	v4 =	vand.u32 $0xFFFFFFC0, v62  }
0x4c: {  	v3 =	vor.u32 v3, v4  }
0x4d: {  	v4 =	vperm.xlane v3, v0;
	_ =	sdelay $0x1  }
0x4e: {  	v4 =	vadd.s32 v1, v4;
	_ =	sdelay $0x4  }
0x4f: {  	[tilespmem:s15], [sflag:$0x1] =	stream.indirect_vreg.gather [hbm4b:s3+s2], $0x80, v4, vm0, $0xb8;
	[tilespmem:$0x10080] =	vst v63  }
0x50: {  	v3 =	vperm.xlane v3, v2  }
0x51: {  	[tilespmem:s16], [sflag:$0x1] =	stream.indirect_vreg.gather [hbm4b:s4+s2], $0x80, v4, vm0, $0xb8;
	[tilespmem:$0x10080] =	vst v63  }
0x52: {  	v3 =	vadd.s32 v1, v3  }
0x53: {  	[tilespmem:s17], [sflag:$0x1] =	stream.indirect_vreg.gather [hbm4b:s5+s2], $0x80, v4, vm0, $0xb8;
	[tilespmem:$0x10080] =	vst v63  }
0x54: {  	_ = 	snop  }
0x55: {  	[tilespmem:s18], [sflag:$0x1] =	stream.indirect_vreg.gather [hbm4b:s6+s2], $0x80, v4, vm0, $0xb8;
	[tilespmem:$0x10080] =	vst v63  }
0x56: {  	_ = 	snop  }
0x57: {  	[tilespmem:s19], [sflag:$0x1] =	stream.indirect_vreg.gather [hbm4b:s3+s2], $0x80, v3, vm0, $0xb8;
	[tilespmem:$0x10080] =	vst v63  }
0x58: {  	_ = 	snop  }
0x59: {  	[tilespmem:s20], [sflag:$0x1] =	stream.indirect_vreg.gather [hbm4b:s4+s2], $0x80, v3, vm0, $0xb8;
	[tilespmem:$0x10080] =	vst v63  }
0x5a: {  	_ = 	snop  }
0x5b: {  	[tilespmem:s21], [sflag:$0x1] =	stream.indirect_vreg.gather [hbm4b:s5+s2], $0x80, v3, vm0, $0xb8;
	[tilespmem:$0x10080] =	vst v63  }
0x5c: {  	_ = 	snop  }
0x5d: {  	[tilespmem:s22], [sflag:$0x1] =	stream.indirect_vreg.gather [hbm4b:s6+s2], $0x80, v3, vm0, $0xb8;
	[tilespmem:$0x10080] =	vst v63  }
0x5e: {  	v3 =	vld [tilespmem:$0x30];
	_ =	sdelay $0x4  }
0x5f: {  	v63 =	vshll.u32 v3, $0x3  }
0x60: {  	v3 =	vand.u32 $0x7, v3;
	v4 =	vand.u32 $0xFFFFFFC0, v63  }
0x61: {  	v3 =	vor.u32 v3, v4  }
0x62: {  	v4 =	vperm.xlane v3, v0;
	_ =	sdelay $0x1  }
0x63: {  	v4 =	vadd.s32 v1, v4;
	_ =	sdelay $0x4  }
0x64: {  	[tilespmem:s23], [sflag:$0x1] =	stream.indirect_vreg.gather [hbm4b:s3+s2], $0x80, v4, vm0, $0xb8;
	[tilespmem:$0x10080] =	vst v63  }
0x65: {  	v3 =	vperm.xlane v3, v2  }
0x66: {  	[tilespmem:s24], [sflag:$0x1] =	stream.indirect_vreg.gather [hbm4b:s4+s2], $0x80, v4, vm0, $0xb8;
	[tilespmem:$0x10080] =	vst v63  }
0x67: {  	v3 =	vadd.s32 v1, v3  }
0x68: {  	[tilespmem:s25], [sflag:$0x1] =	stream.indirect_vreg.gather [hbm4b:s5+s2], $0x80, v4, vm0, $0xb8;
	[tilespmem:$0x10080] =	vst v63  }
0x69: {  	_ = 	snop  }
0x6a: {  	[tilespmem:s26], [sflag:$0x1] =	stream.indirect_vreg.gather [hbm4b:s6+s2], $0x80, v4, vm0, $0xb8;
	[tilespmem:$0x10080] =	vst v63  }
0x6b: {  	_ = 	snop  }
0x6c: {  	[tilespmem:s28], [sflag:$0x1] =	stream.indirect_vreg.gather [hbm4b:s3+s2], $0x80, v3, vm0, $0xb8;
	[tilespmem:$0x10080] =	vst v63  }
0x6d: {  	_ = 	snop  }
0x6e: {  	[tilespmem:s29], [sflag:$0x1] =	stream.indirect_vreg.gather [hbm4b:s4+s2], $0x80, v3, vm0, $0xb8;
	[tilespmem:$0x10080] =	vst v63  }
0x6f: {  	_ = 	snop  }
0x70: {  	[tilespmem:s30], [sflag:$0x1] =	stream.indirect_vreg.gather [hbm4b:s5+s2], $0x80, v3, vm0, $0xb8;
	[tilespmem:$0x10080] =	vst v63  }
0x71: {  	_ = 	snop  }
0x72: {  	[tilespmem:s31], [sflag:$0x1] =	stream.indirect_vreg.gather [hbm4b:s6+s2], $0x80, v3, vm0, $0xb8;
	[tilespmem:$0x10080] =	vst v63  }
0x73: {  	_ =	swait.ge [sflag:s1], $0x10000  }
0x74: {  	p0 =	sne.s32 s7, $0x1;
	[sflag:s1] =	ssyncset.done $0x0  }
.Ltmp0:
0x75: {  	s10 =	rddreg [dreg:$0x3];
	[sflag:s1] =	ssyncadd.s32 $0xFFFF0000;
	(pc) =	sbr.rel @p0 .LBB2_1-.Ltmp0, $4  }
0x76: {  	[hbm4b:s10+s2] =	stream.linear.scatter [tilespmem:s9], [sflag:$0x2], $0x10000, $0x38;
	[tilespmem:$0x10080] =	vst v63  }
0x77: {  	_ =	swait.ge [sflag:s8], $0x10000  }
0x78: {  	[sflag:s8] =	ssyncset.done $0x0  }
0x79: {  	s7 =	sadd.s32 $0xFFFFFFFF, s7;
	[sflag:s8] =	ssyncadd.s32 $0xFFFF0000  }
0x7a: {  	_ =	sfence.sel $0x180000  }
0x7b: {  	[bflag:$0x0] =	sbarrier.arrive $0xFFFF  }
0x7c: {  	_ =	strace $0x9000004A  }
0x7d: {  	s0 =	stileid.u32;
	[bflag:$0x2] =	sbarrier.arrive $0xFFFF  }
0x7e: {  	p0 =	sne.s32 s0, $0x0;
	s0 =	rddreg [dreg:$0x1]  }
0x7f: {  	s0 =	sadd.s32 @!p0 $0x100000, s0  }
0x80: {  	[sflag:s0] =	ssyncadd.tile.s32 @!p0 $0x1;
	_ =	shalt  }
.Lfunc_end2:
_tile_overlayer_lowered:
.L_overlay_start_2:
0x81: {  	(tag) =	ssettag $0x2  }
0x82: {  	s0 =	rddreg [dreg:$0x0];
	s2 =	stileid.u32  }
0x83: {  	s1 =	rddreg [dreg:$0x1];
	p0 =	sne.s32 s2, $0x0  }
0x84: {  	s3 =	rddreg [dreg:$0x2];
	[bflag:$0x3] =	sbarrier.arrive $0xFFFF;
	s2 =	simm.s32 @!p0 $0x1C02  }
0x85: {  	[timem:s3], [sflag:s2] =	dma.local @!p0 [hbm:s0], s1  }
0x86: {  	s0 =	simm.s32 @!p0 $0x2  }
0x87: {  	_ =	swait.ge @!p0 [sflag:s0], s1  }
0x88: {  	s1 =	ssub.s32 @!p0 $0x0, s1;
	[sflag:s0] =	ssyncset.done @!p0 $0x0  }
0x89: {  	[sflag:s0] =	ssyncadd.s32 @!p0 s1  }
0x8a: {  	[bflag:$0x3] =	sbarrier.arrive $0xFFFF  }
0x8b: {  	_ =	shalt  }

// kernel: kernel.9.cloned.1.call-start
scs
__scs_entry_jumppad:
0x0: {  	(pc) =	sbr.rel $0x88, $3  }
0x1: {  	(tag) =	ssettag $0x0;
	lr =	simm.s32 $0x1  }
0x2: {  	[smem:$0x3F99] =	sst lr;
	_ =	strace $0xD0000000  }
0x3: {  	_ = 	snop  }
0x4: {  	_ = 	snop  }
0x5: {  	_ = 	snop  }
0x6: {  	_ = 	snop  }
0x7: {  	_ = 	snop  }
__scs_overlays_trampoline_lowered:
0x8: {  	[smem:$0x3FA8] =	sst s0  }
0x9: {  	[smem:$0x3FA9] =	sst s1  }
0xa: {  	[smem:$0x3FAA] =	sst s2  }
0xb: {  	[smem:$0x3FAB] =	sst s3  }
0xc: {  	[smem:$0x3FAC] =	sst s4  }
0xd: {  	[smem:$0x3FAD] =	sst s5  }
0xe: {  	[smem:$0x3FAE] =	sst s6  }
0xf: {  	[smem:$0x3FAF] =	sst s7  }
0x10: {  	[smem:$0x3FB0] =	sst s8  }
0x11: {  	[smem:$0x3FB1] =	sst s9;
	s0 =	simm.s32 @!p0 $0x0  }
0x12: {  	s1 =	sld [smem:$0x3F97];
	s0 =	simm.s32 @p0 $0x1  }
0x13: {  	[smem:$0x3FB2] =	sst s0;
	s0 =	simm.s32 @!p1 $0x0  }
0x14: {  	s2 =	sld [smem:$0x3F96];
	s0 =	simm.s32 @p1 $0x1  }
0x15: {  	[smem:$0x3FB3] =	sst s0;
	s0 =	simm.s32 @!p2 $0x0  }
0x16: {  	s3 =	sld [smem:$0x3FDB];
	s0 =	simm.s32 @p2 $0x1  }
0x17: {  	s4 =	simm.s32 $0x1BF5;
	[smem:$0x3FB5] =	sst s0  }
0x18: {  	s0 =	sld [smem:$0x3F98];
	_ =	swait.ge [sflag:s4], $0x0  }
0x19: {  	s7 =	sld [smem:$0x3F99]  }
0x1a: {  	s8 =	sadd.s32 $0xFFFFE003, lr  }
0x1b: {  	s9 =	sadd.s32 $0xFFFFFEF7, lr;
	s5 =	simm.s32 $0xFFFFFFFF;
	p2 =	slt.u32 s8, $0xFFFFF086  }
0x1c: {  	p1 =	slt.u32 s9, $0xF7A;
	s5 =	simm.s32 @!p2 $0x0  }
0x1d: {  	s5 =	simm.s32 @p1 $0x1;
	p0 =	seq.s32 s7, s2  }
0x1e: {  	s7 =	smul.u32 @!p0 $0xF7A, s2;
	p2 =	seq.s32 @!p0 s5, $0x0  }
0x1f: {  	s9 =	smul.u32 $0xF7A, s1;
	s8 =	simm.s32 @!p0 $0x1BF5;
	p2 =	por !p2, p0  }
0x20: {  	[sflag:s8] =	ssyncset.s32 @!p0 $0xFFFFF086;
	s6 =	sadd.s32 @!p0 s3, s7;
	s7 =	simm.s32 @!p0 $0x108  }
0x21: {  	s3 =	sadd.s32 s3, s9;
	s6 =	sadd.s32 @!p0 $0x88, s6;
	s7 =	simm.s32 @p2 $0x1082  }
0x22: {  	[simem:s7], [sflag:s8] =	dma.local @!p0 [hbm:s6], $0xF7A  }
0x23: {  	s9 =	sor.u32 $0xD0000000, s2;
	s6 =	simm.s32 $0x108;
	_ =	swait.ge @!p0 [sflag:s8], $0x0  }
0x24: {  	s3 =	sadd.s32 $0x88, s3;
	s6 =	simm.s32 @!p1 $0x1082;
	[sflag:s4] =	ssyncset.s32 $0xFFFFF086  }
0x25: {  	[simem:s6], [sflag:s4] =	dma.local [hbm:s3], $0xF7A  }
0x26: {  	[smem:$0x3F99] =	sst s1;
	(tag) =	ssettag s2;
	_ =	strace s9  }
0x27: {  	s1 =	sld [smem:$0x3FA9]  }
0x28: {  	s2 =	sld [smem:$0x3FAA]  }
0x29: {  	s4 =	sld [smem:$0x3FAC]  }
0x2a: {  	p0 =	seq.s32 s5, $0x0;
	s5 =	sld [smem:$0x3FAD]  }
0x2b: {  	s6 =	sld [smem:$0x3FAE]  }
0x2c: {  	s7 =	sld [smem:$0x3FAF]  }
0x2d: {  	s3 =	simm.s32 $0x108;
	s8 =	sld [smem:$0x3FB0]  }
0x2e: {  	s3 =	simm.s32 @!p0 $0x1082;
	s9 =	sld [smem:$0x3FB1]  }
0x2f: {  	lr =	sadd.s32 s0, s3;
	s0 =	sld [smem:$0x3FA8]  }
0x30: {  	s3 =	sld [smem:$0x3FAB]  }
0x31: {  	[smem:$0x3FB4] =	sst s10  }
0x32: {  	s10 =	sld [smem:$0x3FB2];
	_ =	sdelay $0x3  }
0x33: {  	p0 =	seq.s32 s10, $0x1;
	s10 =	sld [smem:$0x3FB4];
	_ =	sdelay $0x3  }
0x34: {  	[smem:$0x3FB4] =	sst s10  }
0x35: {  	s10 =	sld [smem:$0x3FB3];
	_ =	sdelay $0x3  }
0x36: {  	p1 =	seq.s32 s10, $0x1;
	s10 =	sld [smem:$0x3FB4];
	_ =	sdelay $0x3  }
0x37: {  	[smem:$0x3FB4] =	sst s10  }
0x38: {  	s10 =	sld [smem:$0x3FB5]  }
0x39: {  	_ = 	snop;
	(pc) =	sbr.ind lr, $3  }
0x3a: {  	_ = 	snop  }
0x3b: {  	_ = 	snop  }
0x3c: {  	p2 =	seq.s32 s10, $0x1;
	s10 =	sld [smem:$0x3FB4]  }
0x3d: {  	_ =	shalt  }
0x3e: {  	_ =	shalt  }
0x3f: {  	_ =	shalt  }
0x40: {  	_ =	shalt  }
0x41: {  	_ =	shalt  }
0x42: {  	_ =	shalt  }
0x43: {  	_ =	shalt  }
0x44: {  	_ =	shalt  }
0x45: {  	_ =	shalt  }
0x46: {  	_ =	shalt  }
0x47: {  	_ =	shalt  }
0x48: {  	_ =	shalt  }
0x49: {  	_ =	shalt  }
0x4a: {  	_ =	shalt  }
0x4b: {  	_ =	shalt  }
0x4c: {  	_ =	shalt  }
0x4d: {  	_ =	shalt  }
0x4e: {  	_ =	shalt  }
0x4f: {  	_ =	shalt  }
0x50: {  	_ =	shalt  }
0x51: {  	_ =	shalt  }
0x52: {  	_ =	shalt  }
0x53: {  	_ =	shalt  }
0x54: {  	_ =	shalt  }
0x55: {  	_ =	shalt  }
0x56: {  	_ =	shalt  }
0x57: {  	_ =	shalt  }
0x58: {  	_ =	shalt  }
0x59: {  	_ =	shalt  }
0x5a: {  	_ =	shalt  }
0x5b: {  	_ =	shalt  }
0x5c: {  	_ =	shalt  }
0x5d: {  	_ =	shalt  }
0x5e: {  	_ =	shalt  }
0x5f: {  	_ =	shalt  }
0x60: {  	_ =	shalt  }
0x61: {  	_ =	shalt  }
0x62: {  	_ =	shalt  }
0x63: {  	_ =	shalt  }
0x64: {  	_ =	shalt  }
0x65: {  	_ =	shalt  }
0x66: {  	_ =	shalt  }
0x67: {  	_ =	shalt  }
0x68: {  	_ =	shalt  }
0x69: {  	_ =	shalt  }
0x6a: {  	_ =	shalt  }
0x6b: {  	_ =	shalt  }
0x6c: {  	_ =	shalt  }
0x6d: {  	_ =	shalt  }
0x6e: {  	_ =	shalt  }
0x6f: {  	_ =	shalt  }
0x70: {  	_ =	shalt  }
0x71: {  	_ =	shalt  }
0x72: {  	_ =	shalt  }
0x73: {  	_ =	shalt  }
0x74: {  	_ =	shalt  }
0x75: {  	_ =	shalt  }
0x76: {  	_ =	shalt  }
0x77: {  	_ =	shalt  }
0x78: {  	_ =	shalt  }
0x79: {  	_ =	shalt  }
0x7a: {  	_ =	shalt  }
0x7b: {  	_ =	shalt  }
0x7c: {  	_ =	shalt  }
0x7d: {  	_ =	shalt  }
0x7e: {  	_ =	shalt  }
0x7f: {  	_ =	shalt  }
0x80: {  	_ =	shalt  }
0x81: {  	_ =	shalt  }
0x82: {  	_ =	shalt  }
0x83: {  	_ =	shalt  }
0x84: {  	_ =	shalt  }
0x85: {  	_ =	shalt  }
0x86: {  	_ =	shalt  }
0x87: {  	_ =	shalt  }
.Lfunc_end0:
.L_simem_size_0:
called_computation_lowered:
.L_overlay_start_0:
0x88: {  	s2 =	sld [smem:$0x3FD9]  }
0x89: {  	s3 =	sld [smem:$0x3FFE];
	_ =	sdelay $0x1  }
0x8a: {  	s1 =	srdreg.scid  }
0x8b: {  	s0 =	sand.u32 $0x1, s1  }
0x8c: {  	s14 =	sshll.u32 s0, $0xA;
	s2 =	sadd.s32 s3, s2  }
0x8d: {  	s2 =	sadd.s32 s2, s14  }
0x8e: {  	[smem:$0x3FC0] =	sst s2  }
0x8f: {  	_ = 	snop  }
0x90: {  	s2 =	sld [smem:$0x3FD0];
	_ =	sdelay $0x2  }
0x91: {  	s4 =	simm.s32 $0xA;
	s5 =	simm.s32 $0x10;
	s15 =	sld [smem:$0x3FC9]  }
0x92: {  	[smem:s5], [sflag:s4] =	dma.local [hbm:s2], $0x1  }
0x93: {  	_ =	swait.eq [sflag:s4], $0x1  }
0x94: {  	[sflag:s4] =	ssyncset.done $0x0  }
0x95: {  	s16 =	sld [smem:$0x10];
	[sflag:s4] =	ssyncadd.s32 $0xFFFFFFFF  }
0x96: {  	s17 =	sld [smem:$0x11];
	(tm) =	ssettm $0x1  }
0x97: {  	s18 =	sld [smem:$0x3FFB];
	_ =	sdelay $0x3  }
0x98: {  	_ =	strace s18  }
0x99: {  	s5 =	sld [smem:$0x3FFC];
	_ =	sdelay $0x3  }
0x9a: {  	_ =	strace s5  }
0x9b: {  	s5 =	sld [smem:$0x3FFD];
	_ =	sdelay $0x3  }
0x9c: {  	_ =	strace s5  }
0x9d: {  	_ =	strace $0x8FFFFFFF  }
0x9e: {  	s19 =	sld [smem:$0x3FDB];
	_ =	sdelay $0x1  }
0x9f: {  	s6 =	simm.s32 $_scs_section_size  }
0xa0: {  	s7 =	simm.s32 $_size__tile_overlayer_lowered;
	s8 =	simm.s32 $_tile_overlayer_lowered  }
0xa1: {  	s22 =	simm.s32 $0x1BFF;
	s21 =	sshll.u32 s8, $0x1;
	s5 =	sadd.s32 s6, s19  }
0xa2: {  	s9 =	simm.s32 $0x0;
	s20 =	sshll.u32 s7, $0x1;
	s7 =	sadd.s32 s21, s5  }
0xa3: {  	[timem:s9], [sflag:s22] =	dma.local [hbm:s7], s20  }
0xa4: {  	_ =	swait.ge [sflag:s22], s20  }
0xa5: {  	s6 =	ssub.s32 $0x0, s20;
	[sflag:s22] =	ssyncset.done $0x0  }
0xa6: {  	[sflag:s22] =	ssyncadd.s32 s6;
	_ =	sdelay $0x1  }
0xa7: {  	s23 =	simm.s32 $0x1B8B  }
0xa8: {  	_ =	swait.ge [sflag:s23], $0x1  }
0xa9: {  	[sflag:s23] =	ssyncset.done $0x0  }
0xaa: {  	s25 =	simm.s32 $0x1B8E;
	s24 =	sld [smem:$0x3FFE];
	[sflag:s23] =	ssyncadd.s32 $0xFFFFFFFF  }
0xab: {  	s26 =	simm.s32 $execute0_lowered;
	[smem:$0x3FD2] =	sst s25  }
0xac: {  	s7 =	sshll.u32 s26, $0x1;
	_ =	strace $0x80000046;
	[dreg:$0x1] =	wrdreg $0xFFFFFFFF  }
0xad: {  	s28 =	simm.s32 $_size_execute0_lowered;
	s5 =	sadd.s32 s5, s7;
	[dreg:$0x0] =	wrdreg $0x0  }
0xae: {  	s7 =	sshll.u32 s28, $0x1;
	[dreg:$0x2] =	wrdreg s5  }
0xaf: {  	[dreg:$0x3] =	wrdreg s7  }
0xb0: {  	[dreg:$0x4] =	wrdreg $0xC0  }
0xb1: {  	_ =	task [dreg:s9], $0x5FFFF  }
0xb2: {  	[dreg:$0x1] =	wrdreg $0xFFFFFFFF  }
0xb3: {  	[dreg:$0x0] =	wrdreg $0x60  }
0xb4: {  	[dreg:$0x2] =	wrdreg s16  }
0xb5: {  	[dreg:$0x3] =	wrdreg s15  }
0xb6: {  	[dreg:$0x4] =	wrdreg s24  }
0xb7: {  	[dreg:$0x5] =	wrdreg s17  }
0xb8: {  	[dreg:$0x6] =	wrdreg $0x24800  }
0xb9: {  	[dreg:$0x7] =	wrdreg $0x9  }
0xba: {  	_ =	task.clear_ibuf [dreg:s9], $0x8FFFF;
	_ =	strace $0x90000046  }
0xbb: {  	s29 =	simm.s32 $0x9;
	_ =	strace $0x80000048  }
0xbc: {  	_ =	swait.ge [sflag:s29], $0x1  }
0xbd: {  	[sflag:s29] =	ssyncadd.s32 $0xFFFFFFFF  }
0xbe: {  	_ =	strace $0x90000048  }
0xbf: {  	_ =	sfence  }
0xc0: {  	s30 =	sld [smem:$0x0];
	_ =	sdelay $0x2  }
0xc1: {  	s31 =	sshll.u32 s1, $0xD;
	s1 =	sshrl.u32 s1, $0x2  }
0xc2: {  	s3 =	sand.u32 $0x4000, s31;
	s1 =	sadd.s32 s1, s30  }
0xc3: {  	s0 =	sor.u32 s3, s0;
	s1 =	sshll.u32 s1, $0x11  }
0xc4: {  	s0 =	sor.u32 s1, s0  }
0xc5: {  	s0 =	sadd.s32 $0x8F2B, s0  }
0xc6: {  	[sflag:s0] =	ssyncadd.remote.s32 $0x1  }
0xc7: {  	_ =	sfence.sel $0xFFFF  }
0xc8: {  	[dreg:$0x0] =	wrdreg $0xFFFFFFFF;
	(pc) =	sbr.abs _section_cstart, $3  }
0xc9: {  	[dreg:$0x1] =	wrdreg $0xFFFFFFFF  }
0xca: {  	_ =	task.clear_ibuf [dreg:s9], $0x2FFFF;
	_ =	strace $0x9FFFFFFF  }
0xcb: {  	(tm) =	ssettm $0x7FFFFFFF  }
tec
execute0_lowered:
.L_overlay_start_1:
0x0: {  	(tag) =	ssettag $0x1  }
0x1: {  	s1 =	rddreg [dreg:$0x1]  }
0x2: {  	s0 =	rddreg [dreg:$0x2];
	s2 =	srdreg.scid  }
0x3: {  	s3 =	stileid.u32;
	s8 =	rddreg [dreg:$0x4]  }
0x4: {  	s5 =	simm.s32 $0x0;
	s14 =	simm.s32 $0x2;
	s15 =	simm.s32 $0x2400  }
0x5: {  	s16 =	simm.s32 $0x800;
	s18 =	simm.s32 $0x25C0;
	s31 =	simm.s32 $0x45C0  }
0x6: {  	s17 =	simm.s32 $0x155C0;
	s19 =	simm.s32 $0x15DC0;
	s20 =	simm.s32 $0x165C0  }
0x7: {  	s21 =	simm.s32 $0x16DC0;
	s22 =	simm.s32 $0x175C0;
	s23 =	simm.s32 $0x17DC0  }
0x8: {  	s24 =	simm.s32 $0x185C0;
	s28 =	simm.s32 $0x19DC0;
	s29 =	simm.s32 $0x1  }
0x9: {  	s30 =	simm.s32 $0x0;
	s2 =	sand.u32 $0x1, s2;
	s4 =	sshll.u32 s3, $0x1  }
0xa: {  	[smem:$0x7FF] =	sst s5;
	s7 =	sadd.s32 $0x61E00, s0;
	s9 =	sadd.s32 $0x100, s1  }
0xb: {  	s10 =	sadd.s32 $0x200, s1;
	s11 =	sadd.s32 $0x300, s1;
	p0 =	sne.s32 s3, $0x0  }
0xc: {  	s3 =	simm.s32 $0x35C0;
	s4 =	sor.u32 s2, s4;
	_ =	strace $0x80000047  }
0xd: {  	[dreg:$0x6] =	wrdreg s7;
	s25 =	ssub.s32 $0x2, s2;
	s6 =	smul.u32 $0x3000, s4  }
0xe: {  	p1 =	sne.s32 s2, $0x0;
	s2 =	simm.s32 $0x2DC0;
	s4 =	smul.u32 $0x180, s4  }
.Ltmp0:
0xf: {  	s7 =	simm.s32 $0x14DC0;
	s26 =	sshrl.u32 s25, $0x1;
	(pc) =	sbr.rel .LBB2_1-.Ltmp0, $4  }
0x10: {  	s6 =	sadd.s32 s6, s0;
	s0 =	sadd.s32 $0x61C00, s0;
	s4 =	sshrl.u32 s4, $0x2  }
0x11: {  	v0 =	vimm.s32 $0x0;
	v1 =	vlaneseq.u32;
	[dreg:$0x7] =	wrdreg s0;
	s0 =	ssub.s32 s25, s26;
	s8 =	sadd.s32 s4, s8  }
0x12: {  	v2 =	vimm.f32 $0.0e+00;
	vm0 =	vmmov $0xffff;
	v4 =	vshrl.u32 v1, $0x3;
	s12 =	sadd.s32 $0x1C00, s6;
	s4 =	simm.s32 $0x3DC0;
	s25 =	simm.s32 $0x18DC0  }
0x13: {  	v3 =	vand.u32 $0x7, v1;
	v5 =	vor.u32 $0x8, v1;
	v4 =	vmul.u32 $0x8, v4;
	s26 =	simm.s32 $0x195C0;
	s13 =	smax.u32 s0, $0x1;
	s0 =	simm.s32 $0x2540  }
.LBB2_5:
0x14: {  	[bflag:$0x0] =	sbarrier.arrive $0xFFFF  }
0x15: {  	[tilespmem:s0], [sflag:$0x2] =	stream.linear.gather [spmem:s8], $0x60, $0x38;
	[tilespmem:$0x1A5C0] =	vst v63  }
0x16: {  	_ =	swait.ge [sflag:s14], $0x60  }
0x17: {  	[sflag:s14] =	ssyncset.done $0x0  }
0x18: {  	[sflag:s14] =	ssyncadd.s32 $0xFFFFFFA0  }
0x19: {  	v6 =	vld [tilespmem:$0x2540];
	_ =	sdelay $0x4  }
0x1a: {  	v7 =	vshll.u32 v6, $0x3  }
0x1b: {  	v6 =	vand.u32 $0x7, v6;
	v7 =	vand.u32 $0xFFFFFFC0, v7  }
0x1c: {  	v6 =	vor.u32 v6, v7  }
0x1d: {  	v7 =	vperm.xlane v6, v3;
	_ =	sdelay $0x1  }
0x1e: {  	v7 =	vadd.s32 v4, v7;
	_ =	sdelay $0x4  }
0x1f: {  	[tilespmem:s18], [sflag:$0x1] =	stream.indirect_vreg.gather [hbm4b:s1+s5], $0x80, v7, vm0, $0xb8;
	[tilespmem:$0x1A5C0] =	vst v63  }
0x20: {  	v6 =	vperm.xlane v6, v5  }
0x21: {  	[tilespmem:s2], [sflag:$0x1] =	stream.indirect_vreg.gather [hbm4b:s9+s5], $0x80, v7, vm0, $0xb8;
	[tilespmem:$0x1A5C0] =	vst v63  }
0x22: {  	v6 =	vadd.s32 v4, v6  }
0x23: {  	[tilespmem:s3], [sflag:$0x1] =	stream.indirect_vreg.gather [hbm4b:s10+s5], $0x80, v7, vm0, $0xb8;
	[tilespmem:$0x1A5C0] =	vst v63  }
0x24: {  	_ = 	snop  }
0x25: {  	[tilespmem:s4], [sflag:$0x1] =	stream.indirect_vreg.gather [hbm4b:s11+s5], $0x80, v7, vm0, $0xb8;
	[tilespmem:$0x1A5C0] =	vst v63  }
0x26: {  	_ = 	snop  }
0x27: {  	[tilespmem:s31], [sflag:$0x1] =	stream.indirect_vreg.gather [hbm4b:s1+s5], $0x80, v6, vm0, $0xb8;
	[tilespmem:$0x1A5C0] =	vst v63  }
0x28: {  	s6 =	simm.s32 $0x4DC0  }
0x29: {  	[tilespmem:s6], [sflag:$0x1] =	stream.indirect_vreg.gather [hbm4b:s9+s5], $0x80, v6, vm0, $0xb8;
	[tilespmem:$0x1A5C0] =	vst v63  }
0x2a: {  	s6 =	simm.s32 $0x55C0  }
0x2b: {  	[tilespmem:s6], [sflag:$0x1] =	stream.indirect_vreg.gather [hbm4b:s10+s5], $0x80, v6, vm0, $0xb8;
	[tilespmem:$0x1A5C0] =	vst v63  }
0x2c: {  	s6 =	simm.s32 $0x5DC0  }
0x2d: {  	[tilespmem:s6], [sflag:$0x1] =	stream.indirect_vreg.gather [hbm4b:s11+s5], $0x80, v6, vm0, $0xb8;
	[tilespmem:$0x1A5C0] =	vst v63  }
0x2e: {  	v6 =	vld [tilespmem:$0x2550];
	_ =	sdelay $0x4  }
0x2f: {  	v7 =	vshll.u32 v6, $0x3  }
0x30: {  	v6 =	vand.u32 $0x7, v6;
	v7 =	vand.u32 $0xFFFFFFC0, v7  }
0x31: {  	v6 =	vor.u32 v6, v7  }
0x32: {  	v7 =	vperm.xlane v6, v3;
	_ =	sdelay $0x1  }
0x33: {  	v7 =	vadd.s32 v4, v7;
	_ =	sdelay $0x3  }
0x34: {  	s6 =	simm.s32 $0x65C0  }
0x35: {  	[tilespmem:s6], [sflag:$0x1] =	stream.indirect_vreg.gather [hbm4b:s1+s5], $0x80, v7, vm0, $0xb8;
	[tilespmem:$0x1A5C0] =	vst v63  }
0x36: {  	v6 =	vperm.xlane v6, v5;
	s6 =	simm.s32 $0x6DC0  }
0x37: {  	[tilespmem:s6], [sflag:$0x1] =	stream.indirect_vreg.gather [hbm4b:s9+s5], $0x80, v7, vm0, $0xb8;
	[tilespmem:$0x1A5C0] =	vst v63  }
0x38: {  	v6 =	vadd.s32 v4, v6;
	s6 =	simm.s32 $0x75C0  }
0x39: {  	[tilespmem:s6], [sflag:$0x1] =	stream.indirect_vreg.gather [hbm4b:s10+s5], $0x80, v7, vm0, $0xb8;
	[tilespmem:$0x1A5C0] =	vst v63  }
0x3a: {  	s6 =	simm.s32 $0x7DC0  }
0x3b: {  	[tilespmem:s6], [sflag:$0x1] =	stream.indirect_vreg.gather [hbm4b:s11+s5], $0x80, v7, vm0, $0xb8;
	[tilespmem:$0x1A5C0] =	vst v63  }
0x3c: {  	s6 =	simm.s32 $0x85C0  }
0x3d: {  	[tilespmem:s6], [sflag:$0x1] =	stream.indirect_vreg.gather [hbm4b:s1+s5], $0x80, v6, vm0, $0xb8;
	[tilespmem:$0x1A5C0] =	vst v63  }
0x3e: {  	s6 =	simm.s32 $0x8DC0  }
0x3f: {  	[tilespmem:s6], [sflag:$0x1] =	stream.indirect_vreg.gather [hbm4b:s9+s5], $0x80, v6, vm0, $0xb8;
	[tilespmem:$0x1A5C0] =	vst v63  }
0x40: {  	s6 =	simm.s32 $0x95C0  }
0x41: {  	[tilespmem:s6], [sflag:$0x1] =	stream.indirect_vreg.gather [hbm4b:s10+s5], $0x80, v6, vm0, $0xb8;
	[tilespmem:$0x1A5C0] =	vst v63  }
0x42: {  	s6 =	simm.s32 $0x9DC0  }
0x43: {  	[tilespmem:s6], [sflag:$0x1] =	stream.indirect_vreg.gather [hbm4b:s11+s5], $0x80, v6, vm0, $0xb8;
	[tilespmem:$0x1A5C0] =	vst v63  }
0x44: {  	v6 =	vld [tilespmem:$0x2560];
	_ =	sdelay $0x4  }
0x45: {  	v7 =	vshll.u32 v6, $0x3  }
0x46: {  	v6 =	vand.u32 $0x7, v6;
	v7 =	vand.u32 $0xFFFFFFC0, v7  }
0x47: {  	v6 =	vor.u32 v6, v7  }
0x48: {  	v7 =	vperm.xlane v6, v3;
	_ =	sdelay $0x1  }
0x49: {  	v7 =	vadd.s32 v4, v7;
	_ =	sdelay $0x3  }
0x4a: {  	s6 =	simm.s32 $0xA5C0  }
0x4b: {  	[tilespmem:s6], [sflag:$0x1] =	stream.indirect_vreg.gather [hbm4b:s1+s5], $0x80, v7, vm0, $0xb8;
	[tilespmem:$0x1A5C0] =	vst v63  }
0x4c: {  	v6 =	vperm.xlane v6, v5;
	s6 =	simm.s32 $0xADC0  }
0x4d: {  	[tilespmem:s6], [sflag:$0x1] =	stream.indirect_vreg.gather [hbm4b:s9+s5], $0x80, v7, vm0, $0xb8;
	[tilespmem:$0x1A5C0] =	vst v63  }
0x4e: {  	v6 =	vadd.s32 v4, v6;
	s6 =	simm.s32 $0xB5C0  }
0x4f: {  	[tilespmem:s6], [sflag:$0x1] =	stream.indirect_vreg.gather [hbm4b:s10+s5], $0x80, v7, vm0, $0xb8;
	[tilespmem:$0x1A5C0] =	vst v63  }
0x50: {  	s6 =	simm.s32 $0xBDC0  }
0x51: {  	[tilespmem:s6], [sflag:$0x1] =	stream.indirect_vreg.gather [hbm4b:s11+s5], $0x80, v7, vm0, $0xb8;
	[tilespmem:$0x1A5C0] =	vst v63  }
0x52: {  	s6 =	simm.s32 $0xC5C0  }
0x53: {  	[tilespmem:s6], [sflag:$0x1] =	stream.indirect_vreg.gather [hbm4b:s1+s5], $0x80, v6, vm0, $0xb8;
	[tilespmem:$0x1A5C0] =	vst v63  }
0x54: {  	s6 =	simm.s32 $0xCDC0  }
0x55: {  	[tilespmem:s6], [sflag:$0x1] =	stream.indirect_vreg.gather [hbm4b:s9+s5], $0x80, v6, vm0, $0xb8;
	[tilespmem:$0x1A5C0] =	vst v63  }
0x56: {  	s6 =	simm.s32 $0xD5C0  }
0x57: {  	[tilespmem:s6], [sflag:$0x1] =	stream.indirect_vreg.gather [hbm4b:s10+s5], $0x80, v6, vm0, $0xb8;
	[tilespmem:$0x1A5C0] =	vst v63  }
0x58: {  	s6 =	simm.s32 $0xDDC0  }
0x59: {  	[tilespmem:s6], [sflag:$0x1] =	stream.indirect_vreg.gather [hbm4b:s11+s5], $0x80, v6, vm0, $0xb8;
	[tilespmem:$0x1A5C0] =	vst v63  }
0x5a: {  	v6 =	vld [tilespmem:$0x2570];
	_ =	sdelay $0x4  }
0x5b: {  	v7 =	vshll.u32 v6, $0x3  }
0x5c: {  	v6 =	vand.u32 $0x7, v6;
	v7 =	vand.u32 $0xFFFFFFC0, v7  }
0x5d: {  	v6 =	vor.u32 v6, v7  }
0x5e: {  	v7 =	vperm.xlane v6, v3;
	_ =	sdelay $0x1  }
0x5f: {  	v7 =	vadd.s32 v4, v7;
	_ =	sdelay $0x3  }
0x60: {  	s6 =	simm.s32 $0xE5C0  }
0x61: {  	[tilespmem:s6], [sflag:$0x1] =	stream.indirect_vreg.gather [hbm4b:s1+s5], $0x80, v7, vm0, $0xb8;
	[tilespmem:$0x1A5C0] =	vst v63  }
0x62: {  	v6 =	vperm.xlane v6, v5;
	s6 =	simm.s32 $0xEDC0  }
0x63: {  	[tilespmem:s6], [sflag:$0x1] =	stream.indirect_vreg.gather [hbm4b:s9+s5], $0x80, v7, vm0, $0xb8;
	[tilespmem:$0x1A5C0] =	vst v63  }
0x64: {  	v6 =	vadd.s32 v4, v6;
	s6 =	simm.s32 $0xF5C0  }
0x65: {  	[tilespmem:s6], [sflag:$0x1] =	stream.indirect_vreg.gather [hbm4b:s10+s5], $0x80, v7, vm0, $0xb8;
	[tilespmem:$0x1A5C0] =	vst v63  }
0x66: {  	s6 =	simm.s32 $0xFDC0  }
0x67: {  	[tilespmem:s6], [sflag:$0x1] =	stream.indirect_vreg.gather [hbm4b:s11+s5], $0x80, v7, vm0, $0xb8;
	[tilespmem:$0x1A5C0] =	vst v63  }
0x68: {  	s6 =	simm.s32 $0x105C0  }
0x69: {  	[tilespmem:s6], [sflag:$0x1] =	stream.indirect_vreg.gather [hbm4b:s1+s5], $0x80, v6, vm0, $0xb8;
	[tilespmem:$0x1A5C0] =	vst v63  }
0x6a: {  	s6 =	simm.s32 $0x10DC0  }
0x6b: {  	[tilespmem:s6], [sflag:$0x1] =	stream.indirect_vreg.gather [hbm4b:s9+s5], $0x80, v6, vm0, $0xb8;
	[tilespmem:$0x1A5C0] =	vst v63  }
0x6c: {  	s6 =	simm.s32 $0x115C0  }
0x6d: {  	[tilespmem:s6], [sflag:$0x1] =	stream.indirect_vreg.gather [hbm4b:s10+s5], $0x80, v6, vm0, $0xb8;
	[tilespmem:$0x1A5C0] =	vst v63  }
0x6e: {  	s6 =	simm.s32 $0x11DC0  }
0x6f: {  	[tilespmem:s6], [sflag:$0x1] =	stream.indirect_vreg.gather [hbm4b:s11+s5], $0x80, v6, vm0, $0xb8;
	[tilespmem:$0x1A5C0] =	vst v63  }
0x70: {  	v6 =	vld [tilespmem:$0x2580];
	_ =	sdelay $0x4  }
0x71: {  	v7 =	vshll.u32 v6, $0x3  }
0x72: {  	v6 =	vand.u32 $0x7, v6;
	v7 =	vand.u32 $0xFFFFFFC0, v7  }
0x73: {  	v6 =	vor.u32 v6, v7  }
0x74: {  	v7 =	vperm.xlane v6, v3;
	_ =	sdelay $0x1  }
0x75: {  	v7 =	vadd.s32 v4, v7;
	_ =	sdelay $0x3  }
0x76: {  	s6 =	simm.s32 $0x125C0  }
0x77: {  	[tilespmem:s6], [sflag:$0x1] =	stream.indirect_vreg.gather [hbm4b:s1+s5], $0x80, v7, vm0, $0xb8;
	[tilespmem:$0x1A5C0] =	vst v63  }
0x78: {  	v6 =	vperm.xlane v6, v5;
	s6 =	simm.s32 $0x12DC0  }
0x79: {  	[tilespmem:s6], [sflag:$0x1] =	stream.indirect_vreg.gather [hbm4b:s9+s5], $0x80, v7, vm0, $0xb8;
	[tilespmem:$0x1A5C0] =	vst v63  }
0x7a: {  	v6 =	vadd.s32 v4, v6;
	s6 =	simm.s32 $0x135C0  }
0x7b: {  	[tilespmem:s6], [sflag:$0x1] =	stream.indirect_vreg.gather [hbm4b:s10+s5], $0x80, v7, vm0, $0xb8;
	[tilespmem:$0x1A5C0] =	vst v63  }
0x7c: {  	s6 =	simm.s32 $0x13DC0  }
0x7d: {  	[tilespmem:s6], [sflag:$0x1] =	stream.indirect_vreg.gather [hbm4b:s11+s5], $0x80, v7, vm0, $0xb8;
	[tilespmem:$0x1A5C0] =	vst v63  }
0x7e: {  	s6 =	simm.s32 $0x145C0  }
0x7f: {  	[tilespmem:s6], [sflag:$0x1] =	stream.indirect_vreg.gather [hbm4b:s1+s5], $0x80, v6, vm0, $0xb8;
	[tilespmem:$0x1A5C0] =	vst v63  }
0x80: {  	_ = 	snop  }
0x81: {  	[tilespmem:s7], [sflag:$0x1] =	stream.indirect_vreg.gather [hbm4b:s9+s5], $0x80, v6, vm0, $0xb8;
	[tilespmem:$0x1A5C0] =	vst v63  }
0x82: {  	_ = 	snop  }
0x83: {  	[tilespmem:s17], [sflag:$0x1] =	stream.indirect_vreg.gather [hbm4b:s10+s5], $0x80, v6, vm0, $0xb8;
	[tilespmem:$0x1A5C0] =	vst v63  }
0x84: {  	_ = 	snop  }
0x85: {  	[tilespmem:s19], [sflag:$0x1] =	stream.indirect_vreg.gather [hbm4b:s11+s5], $0x80, v6, vm0, $0xb8;
	[tilespmem:$0x1A5C0] =	vst v63  }
0x86: {  	v6 =	vld [tilespmem:$0x2590];
	_ =	sdelay $0x4  }
0x87: {  	v7 =	vshll.u32 v6, $0x3  }
0x88: {  	v6 =	vand.u32 $0x7, v6;
	v7 =	vand.u32 $0xFFFFFFC0, v7  }
0x89: {  	v6 =	vor.u32 v6, v7  }
0x8a: {  	v7 =	vperm.xlane v6, v3;
	_ =	sdelay $0x1  }
0x8b: {  	v7 =	vadd.s32 v4, v7;
	_ =	sdelay $0x4  }
0x8c: {  	[tilespmem:s20], [sflag:$0x1] =	stream.indirect_vreg.gather [hbm4b:s1+s5], $0x80, v7, vm0, $0xb8;
	[tilespmem:$0x1A5C0] =	vst v63  }
0x8d: {  	v6 =	vperm.xlane v6, v5  }
0x8e: {  	[tilespmem:s21], [sflag:$0x1] =	stream.indirect_vreg.gather [hbm4b:s9+s5], $0x80, v7, vm0, $0xb8;
	[tilespmem:$0x1A5C0] =	vst v63  }
0x8f: {  	v6 =	vadd.s32 v4, v6  }
0x90: {  	[tilespmem:s22], [sflag:$0x1] =	stream.indirect_vreg.gather [hbm4b:s10+s5], $0x80, v7, vm0, $0xb8;
	[tilespmem:$0x1A5C0] =	vst v63  }
0x91: {  	_ = 	snop  }
0x92: {  	[tilespmem:s23], [sflag:$0x1] =	stream.indirect_vreg.gather [hbm4b:s11+s5], $0x80, v7, vm0, $0xb8;
	[tilespmem:$0x1A5C0] =	vst v63  }
0x93: {  	_ = 	snop  }
0x94: {  	[tilespmem:s24], [sflag:$0x1] =	stream.indirect_vreg.gather [hbm4b:s1+s5], $0x80, v6, vm0, $0xb8;
	[tilespmem:$0x1A5C0] =	vst v63  }
0x95: {  	_ = 	snop  }
0x96: {  	[tilespmem:s25], [sflag:$0x1] =	stream.indirect_vreg.gather [hbm4b:s9+s5], $0x80, v6, vm0, $0xb8;
	[tilespmem:$0x1A5C0] =	vst v63  }
0x97: {  	_ = 	snop  }
0x98: {  	[tilespmem:s26], [sflag:$0x1] =	stream.indirect_vreg.gather [hbm4b:s10+s5], $0x80, v6, vm0, $0xb8;
	[tilespmem:$0x1A5C0] =	vst v63  }
0x99: {  	_ = 	snop  }
0x9a: {  	[tilespmem:s28], [sflag:$0x1] =	stream.indirect_vreg.gather [hbm4b:s11+s5], $0x80, v6, vm0, $0xb8;
	[tilespmem:$0x1A5C0] =	vst v63  }
0x9b: {  	s30 =	sadd.s32 $0x1, s30;
	_ =	swait.ge [sflag:s29], $0x18000  }
0x9c: {  	p2 =	sne.s32 s30, s13;
	[sflag:s29] =	ssyncset.done $0x0  }
.Ltmp1:
0x9d: {  	[sflag:s29] =	ssyncadd.s32 $0xFFFE8000;
	(pc) =	sbr.rel @!p2 .LBB2_6-.Ltmp1, $4  }
0x9e: {  	[hbm4b:s12+s5] =	stream.linear.scatter [tilespmem:s18], [sflag:$0x2], $0x18000, $0x38;
	[tilespmem:$0x1A5C0] =	vst v63  }
0x9f: {  	_ =	swait.ge [sflag:s14], $0x18000  }
0xa0: {  	[sflag:s14] =	ssyncset.done $0x0  }
0xa1: {  	[sflag:s14] =	ssyncadd.s32 $0xFFFE8000  }
.LBB2_1:
.Ltmp2:
0xa2: {  	(pc) =	sbr.rel @p0 .LBB2_5-.Ltmp2, $1  }
0xa3: {  	_ =	sdelay $0x3  }
0xa4: {  	s31 =	simm.s32 $0x0;
	s0 =	rddreg [dreg:$0x0]  }
0xa5: {  	[tilespmem:s31], [sflag:$0x2] =	stream.linear.gather [hbm4b:s0+s31], $0x800, $0x38;
	[tilespmem:$0x1A5C0] =	vst v63  }
0xa6: {  	_ =	swait.ge [sflag:s14], $0x800  }
0xa7: {  	[sflag:s14] =	ssyncset.done $0x0  }
0xa8: {  	[sflag:s14] =	ssyncadd.s32 $0xFFFFF800  }
0xa9: {  	[tilespmem:$0x800] =	vst v0  }
0xaa: {  	[tilespmem:$0x810] =	vst v0  }
0xab: {  	[tilespmem:$0x820] =	vst v0  }
0xac: {  	[tilespmem:$0x830] =	vst v0  }
0xad: {  	[tilespmem:$0x840] =	vst v0  }
0xae: {  	[tilespmem:$0x850] =	vst v0  }
0xaf: {  	[tilespmem:$0x860] =	vst v0  }
0xb0: {  	[tilespmem:$0x870] =	vst v0  }
0xb1: {  	[tilespmem:$0x880] =	vst v0  }
0xb2: {  	[tilespmem:$0x890] =	vst v0  }
0xb3: {  	[tilespmem:$0x8A0] =	vst v0  }
0xb4: {  	[tilespmem:$0x8B0] =	vst v0  }
0xb5: {  	[tilespmem:$0x8C0] =	vst v0  }
0xb6: {  	[tilespmem:$0x8D0] =	vst v0  }
0xb7: {  	[tilespmem:$0x8E0] =	vst v0  }
0xb8: {  	[tilespmem:$0x8F0] =	vst v0  }
0xb9: {  	[tilespmem:$0x900] =	vst v0  }
0xba: {  	[tilespmem:$0x910] =	vst v0  }
0xbb: {  	[tilespmem:$0x920] =	vst v0  }
0xbc: {  	[tilespmem:$0x930] =	vst v0  }
0xbd: {  	[tilespmem:$0x940] =	vst v0  }
0xbe: {  	[tilespmem:$0x950] =	vst v0  }
0xbf: {  	[tilespmem:$0x960] =	vst v0  }
0xc0: {  	[tilespmem:$0x970] =	vst v0  }
0xc1: {  	[tilespmem:$0x980] =	vst v0  }
0xc2: {  	[tilespmem:$0x990] =	vst v0  }
0xc3: {  	[tilespmem:$0x9A0] =	vst v0  }
0xc4: {  	[tilespmem:$0x9B0] =	vst v0  }
0xc5: {  	[tilespmem:$0x9C0] =	vst v0  }
0xc6: {  	[tilespmem:$0x9D0] =	vst v0  }
0xc7: {  	[tilespmem:$0x9E0] =	vst v0  }
0xc8: {  	[tilespmem:$0x9F0] =	vst v0  }
0xc9: {  	[tilespmem:$0xA00] =	vst v0  }
0xca: {  	[tilespmem:$0xA10] =	vst v0  }
0xcb: {  	[tilespmem:$0xA20] =	vst v0  }
0xcc: {  	[tilespmem:$0xA30] =	vst v0  }
0xcd: {  	[tilespmem:$0xA40] =	vst v0  }
0xce: {  	[tilespmem:$0xA50] =	vst v0  }
0xcf: {  	[tilespmem:$0xA60] =	vst v0  }
0xd0: {  	[tilespmem:$0xA70] =	vst v0  }
0xd1: {  	[tilespmem:$0xA80] =	vst v0  }
0xd2: {  	[tilespmem:$0xA90] =	vst v0  }
0xd3: {  	[tilespmem:$0xAA0] =	vst v0  }
0xd4: {  	[tilespmem:$0xAB0] =	vst v0  }
0xd5: {  	[tilespmem:$0xAC0] =	vst v0  }
0xd6: {  	[tilespmem:$0xAD0] =	vst v0  }
0xd7: {  	[tilespmem:$0xAE0] =	vst v0  }
0xd8: {  	[tilespmem:$0xAF0] =	vst v0  }
0xd9: {  	[tilespmem:$0xB00] =	vst v0  }
0xda: {  	[tilespmem:$0xB10] =	vst v0  }
0xdb: {  	[tilespmem:$0xB20] =	vst v0  }
0xdc: {  	[tilespmem:$0xB30] =	vst v0  }
0xdd: {  	[tilespmem:$0xB40] =	vst v0  }
0xde: {  	[tilespmem:$0xB50] =	vst v0  }
0xdf: {  	[tilespmem:$0xB60] =	vst v0  }
0xe0: {  	[tilespmem:$0xB70] =	vst v0  }
0xe1: {  	[tilespmem:$0xB80] =	vst v0  }
0xe2: {  	[tilespmem:$0xB90] =	vst v0  }
0xe3: {  	[tilespmem:$0xBA0] =	vst v0  }
0xe4: {  	[tilespmem:$0xBB0] =	vst v0  }
0xe5: {  	[tilespmem:$0xBC0] =	vst v0  }
0xe6: {  	[tilespmem:$0xBD0] =	vst v0  }
0xe7: {  	[tilespmem:$0xBE0] =	vst v0  }
0xe8: {  	[tilespmem:$0xBF0] =	vst v0  }
0xe9: {  	[tilespmem:$0xC00] =	vst v0  }
0xea: {  	[tilespmem:$0xC10] =	vst v0  }
0xeb: {  	[tilespmem:$0xC20] =	vst v0  }
0xec: {  	[tilespmem:$0xC30] =	vst v0  }
0xed: {  	[tilespmem:$0xC40] =	vst v0  }
0xee: {  	[tilespmem:$0xC50] =	vst v0  }
0xef: {  	[tilespmem:$0xC60] =	vst v0  }
0xf0: {  	[tilespmem:$0xC70] =	vst v0  }
0xf1: {  	[tilespmem:$0xC80] =	vst v0  }
0xf2: {  	[tilespmem:$0xC90] =	vst v0  }
0xf3: {  	[tilespmem:$0xCA0] =	vst v0  }
0xf4: {  	[tilespmem:$0xCB0] =	vst v0  }
0xf5: {  	[tilespmem:$0xCC0] =	vst v0  }
0xf6: {  	[tilespmem:$0xCD0] =	vst v0  }
0xf7: {  	[tilespmem:$0xCE0] =	vst v0  }
0xf8: {  	[tilespmem:$0xCF0] =	vst v0  }
0xf9: {  	[tilespmem:$0xD00] =	vst v0  }
0xfa: {  	[tilespmem:$0xD10] =	vst v0  }
0xfb: {  	[tilespmem:$0xD20] =	vst v0  }
0xfc: {  	[tilespmem:$0xD30] =	vst v0  }
0xfd: {  	[tilespmem:$0xD40] =	vst v0  }
0xfe: {  	[tilespmem:$0xD50] =	vst v0  }
0xff: {  	[tilespmem:$0xD60] =	vst v0  }
0x100: {  	[tilespmem:$0xD70] =	vst v0  }
0x101: {  	[tilespmem:$0xD80] =	vst v0  }
0x102: {  	[tilespmem:$0xD90] =	vst v0  }
0x103: {  	[tilespmem:$0xDA0] =	vst v0  }
0x104: {  	[tilespmem:$0xDB0] =	vst v0  }
0x105: {  	[tilespmem:$0xDC0] =	vst v0  }
0x106: {  	[tilespmem:$0xDD0] =	vst v0  }
0x107: {  	[tilespmem:$0xDE0] =	vst v0  }
0x108: {  	[tilespmem:$0xDF0] =	vst v0  }
0x109: {  	[tilespmem:$0xE00] =	vst v0  }
0x10a: {  	[tilespmem:$0xE10] =	vst v0  }
0x10b: {  	[tilespmem:$0xE20] =	vst v0  }
0x10c: {  	[tilespmem:$0xE30] =	vst v0  }
0x10d: {  	[tilespmem:$0xE40] =	vst v0  }
0x10e: {  	[tilespmem:$0xE50] =	vst v0  }
0x10f: {  	[tilespmem:$0xE60] =	vst v0  }
0x110: {  	[tilespmem:$0xE70] =	vst v0  }
0x111: {  	[tilespmem:$0xE80] =	vst v0  }
0x112: {  	[tilespmem:$0xE90] =	vst v0  }
0x113: {  	[tilespmem:$0xEA0] =	vst v0  }
0x114: {  	[tilespmem:$0xEB0] =	vst v0  }
0x115: {  	[tilespmem:$0xEC0] =	vst v0  }
0x116: {  	[tilespmem:$0xED0] =	vst v0  }
0x117: {  	[tilespmem:$0xEE0] =	vst v0  }
0x118: {  	[tilespmem:$0xEF0] =	vst v0  }
0x119: {  	[tilespmem:$0xF00] =	vst v0  }
0x11a: {  	[tilespmem:$0xF10] =	vst v0  }
0x11b: {  	[tilespmem:$0xF20] =	vst v0  }
0x11c: {  	[tilespmem:$0xF30] =	vst v0  }
0x11d: {  	[tilespmem:$0xF40] =	vst v0  }
0x11e: {  	[tilespmem:$0xF50] =	vst v0  }
0x11f: {  	[tilespmem:$0xF60] =	vst v0  }
0x120: {  	[tilespmem:$0xF70] =	vst v0  }
0x121: {  	[tilespmem:$0xF80] =	vst v0  }
0x122: {  	[tilespmem:$0xF90] =	vst v0  }
0x123: {  	[tilespmem:$0xFA0] =	vst v0  }
0x124: {  	[tilespmem:$0xFB0] =	vst v0  }
0x125: {  	[tilespmem:$0xFC0] =	vst v0  }
0x126: {  	[tilespmem:$0xFD0] =	vst v0  }
0x127: {  	[tilespmem:$0xFE0] =	vst v0  }
0x128: {  	[tilespmem:$0xFF0] =	vst v0  }
0x129: {  	[tilespmem:$0x1000] =	vst v0  }
0x12a: {  	[tilespmem:$0x1010] =	vst v0  }
0x12b: {  	[tilespmem:$0x1020] =	vst v0  }
0x12c: {  	[tilespmem:$0x1030] =	vst v0  }
0x12d: {  	[tilespmem:$0x1040] =	vst v0  }
0x12e: {  	[tilespmem:$0x1050] =	vst v0  }
0x12f: {  	[tilespmem:$0x1060] =	vst v0  }
0x130: {  	[tilespmem:$0x1070] =	vst v0  }
0x131: {  	[tilespmem:$0x1080] =	vst v0  }
0x132: {  	[tilespmem:$0x1090] =	vst v0  }
0x133: {  	[tilespmem:$0x10A0] =	vst v0  }
0x134: {  	[tilespmem:$0x10B0] =	vst v0  }
0x135: {  	[tilespmem:$0x10C0] =	vst v0  }
0x136: {  	[tilespmem:$0x10D0] =	vst v0  }
0x137: {  	[tilespmem:$0x10E0] =	vst v0  }
0x138: {  	[tilespmem:$0x10F0] =	vst v0  }
0x139: {  	[tilespmem:$0x1100] =	vst v0  }
0x13a: {  	[tilespmem:$0x1110] =	vst v0  }
0x13b: {  	[tilespmem:$0x1120] =	vst v0  }
0x13c: {  	[tilespmem:$0x1130] =	vst v0  }
0x13d: {  	[tilespmem:$0x1140] =	vst v0  }
0x13e: {  	[tilespmem:$0x1150] =	vst v0  }
0x13f: {  	[tilespmem:$0x1160] =	vst v0  }
0x140: {  	[tilespmem:$0x1170] =	vst v0  }
0x141: {  	[tilespmem:$0x1180] =	vst v0  }
0x142: {  	[tilespmem:$0x1190] =	vst v0  }
0x143: {  	[tilespmem:$0x11A0] =	vst v0  }
0x144: {  	[tilespmem:$0x11B0] =	vst v0  }
0x145: {  	[tilespmem:$0x11C0] =	vst v0  }
0x146: {  	[tilespmem:$0x11D0] =	vst v0  }
0x147: {  	[tilespmem:$0x11E0] =	vst v0  }
0x148: {  	[tilespmem:$0x11F0] =	vst v0  }
0x149: {  	[tilespmem:$0x1200] =	vst v0  }
0x14a: {  	[tilespmem:$0x1210] =	vst v0  }
0x14b: {  	[tilespmem:$0x1220] =	vst v0  }
0x14c: {  	[tilespmem:$0x1230] =	vst v0  }
0x14d: {  	[tilespmem:$0x1240] =	vst v0  }
0x14e: {  	[tilespmem:$0x1250] =	vst v0  }
0x14f: {  	[tilespmem:$0x1260] =	vst v0  }
0x150: {  	[tilespmem:$0x1270] =	vst v0  }
0x151: {  	[tilespmem:$0x1280] =	vst v0  }
0x152: {  	[tilespmem:$0x1290] =	vst v0  }
0x153: {  	[tilespmem:$0x12A0] =	vst v0  }
0x154: {  	[tilespmem:$0x12B0] =	vst v0  }
0x155: {  	[tilespmem:$0x12C0] =	vst v0  }
0x156: {  	[tilespmem:$0x12D0] =	vst v0  }
0x157: {  	[tilespmem:$0x12E0] =	vst v0  }
0x158: {  	[tilespmem:$0x12F0] =	vst v0  }
0x159: {  	[tilespmem:$0x1300] =	vst v0  }
0x15a: {  	[tilespmem:$0x1310] =	vst v0  }
0x15b: {  	[tilespmem:$0x1320] =	vst v0  }
0x15c: {  	[tilespmem:$0x1330] =	vst v0  }
0x15d: {  	[tilespmem:$0x1340] =	vst v0  }
0x15e: {  	[tilespmem:$0x1350] =	vst v0  }
0x15f: {  	[tilespmem:$0x1360] =	vst v0  }
0x160: {  	[tilespmem:$0x1370] =	vst v0  }
0x161: {  	[tilespmem:$0x1380] =	vst v0  }
0x162: {  	[tilespmem:$0x1390] =	vst v0  }
0x163: {  	[tilespmem:$0x13A0] =	vst v0  }
0x164: {  	[tilespmem:$0x13B0] =	vst v0  }
0x165: {  	[tilespmem:$0x13C0] =	vst v0  }
0x166: {  	[tilespmem:$0x13D0] =	vst v0  }
0x167: {  	[tilespmem:$0x13E0] =	vst v0  }
0x168: {  	[tilespmem:$0x13F0] =	vst v0  }
0x169: {  	[tilespmem:$0x2400] =	vst v0  }
0x16a: {  	v6 =	vld [tilespmem:s31+$0x0];
	_ =	sdelay $0x4  }
0x16b: {  	(xrf1) =	vunique.msk.u32 $0xffff, v6;
	_ =	sdelay $0x9  }
0x16c: {  	v7 =	vld.idx.msk [tilespmem:v6+s15+$0x0], $0xffff;
	_ =	sdelay $0x3  }
0x16d: {  	_, v8, vm1 =	vpop (xrf1)  }
0x16e: {  	v7 =	vadd.s32 v7, v8  }
0x16f: {  	v9 =	vmul.u32 $0x180, v6;
	v8 =	vadd.s32 $0xFFFFFFFF, v7  }
0x170: {  	vm2 =	vlt.s32 v8, $0x133  }
0x171: {  	v8 =	vadd.s32 v9, v8;
	_ =	sdelay $0x1  }
0x172: {  	s3 =	simm.s32 $0x1400;
	v9 =	vnsel vm2, $0x0, v8  }
0x173: {  	s0 =	simm.s32 $0x1C00;
	v63 =	vsel vm2, $0x3F800000, v2;
	[tilespmem:s3+$0x0] =	vst v9  }
0x174: {  	v10 =	vor.u32 s31, v1;
	[tilespmem:s0+$0x0] =	vst v63  }
0x175: {  	s2 =	simm.s32 $0x10;
	[tilespmem:v8+s16+$0x0] =	vst.idx.msk vm2, v10  }
.LBB2_3:
0x176: {  	[tilespmem:v6+s15+$0x0] =	vst.idx.msk vm1, v7;
	s31 =	sadd.s32 $0x10, s31;
	s3 =	sadd.s32 $0x10, s3;
	s0 =	sadd.s32 $0x10, s0  }
0x177: {  	p2 =	sne.s32 s2, $0x7F0;
	s4 =	smov.u32 s2;
	s2 =	sadd.s32 $0x10, s2;
	v6 =	vld [tilespmem:s31+$0x0]  }
0x178: {  	_ =	sdelay $0x3  }
0x179: {  	(xrf1) =	vunique.msk.u32 $0xffff, v6;
	_ =	sdelay $0x8  }
0x17a: {  	v7 =	vld.idx.msk [tilespmem:v6+s15+$0x0], $0xffff;
	_ =	sdelay $0x4  }
0x17b: {  	_, v8, vm1 =	vpop (xrf1)  }
0x17c: {  	v7 =	vadd.s32 v7, v8  }
0x17d: {  	v9 =	vmul.u32 $0x180, v6;
	v8 =	vadd.s32 $0xFFFFFFFF, v7  }
0x17e: {  	vm2 =	vlt.s32 v8, $0x133  }
0x17f: {  	v8 =	vadd.s32 v9, v8  }
.Ltmp3:
0x180: {  	v9 =	vnsel vm2, $0x0, v8;
	(pc) =	sbr.rel @p2 .LBB2_3-.Ltmp3, $4  }
0x181: {  	_ = 	snop  }
0x182: {  	[tilespmem:s3+$0x0] =	vst v9;
	v9 =	vsel vm2, $0x3F800000, v2  }
0x183: {  	v10 =	vor.u32 s4, v1;
	[tilespmem:s0+$0x0] =	vst v9  }
0x184: {  	[tilespmem:v8+s16+$0x0] =	vst.idx.msk vm2, v10  }
0x185: {  	_ =	sdelay $0x4  }
0x186: {  	[tilespmem:v6+s15+$0x0] =	vst.idx.msk vm1, v7;
	s0 =	rddreg [dreg:$0x4]  }
0x187: {  	[spmem:s0] =	stream.linear.scatter [tilespmem:s16], [sflag:$0x2], $0xC00, $0x38;
	[tilespmem:$0x1A5C0] =	vst v63  }
0x188: {  	_ =	swait.ge [sflag:s14], $0xC00  }
0x189: {  	[sflag:s14] =	ssyncset.done $0x0  }
0x18a: {  	[sflag:s14] =	ssyncadd.s32 $0xFFFFF400  }
0x18b: {  	s2 =	simm.s32 @!p1 $0x2400;
	s0 =	simm.s32 @!p1 $0x0;
	s3 =	rddreg [dreg:$0x3]  }
0x18c: {  	[hbm4b:s3+s0] =	stream.linear.scatter @!p1 [tilespmem:s2], [sflag:$0x2], $0x80, $0x38;
	[tilespmem:$0x1A5C0] =	vst v63  }
0x18d: {  	s2 =	simm.s32 @!p1 $0x2  }
0x18e: {  	_ =	swait.ge @!p1 [sflag:s2], $0x80  }
0x18f: {  	[sflag:s2] =	ssyncset.done @!p1 $0x0  }
0x190: {  	s3 =	simm.s32 @!p1 $0x1400;
	s4 =	rddreg [dreg:$0x6];
	[sflag:s2] =	ssyncadd.s32 @!p1 $0xFFFFFF80  }
0x191: {  	[hbm4b:s4+s0] =	stream.linear.scatter @!p1 [tilespmem:s3], [sflag:$0x2], $0x800, $0x38;
	[tilespmem:$0x1A5C0] =	vst v63  }
0x192: {  	_ =	swait.ge @!p1 [sflag:s2], $0x800  }
0x193: {  	s3 =	simm.s32 @!p1 $0x1C00;
	[sflag:s2] =	ssyncset.done @!p1 $0x0  }
.Ltmp4:
0x194: {  	s4 =	rddreg [dreg:$0x7];
	[sflag:s2] =	ssyncadd.s32 @!p1 $0xFFFFF800;
	(pc) =	sbr.rel .LBB2_5-.Ltmp4, $4  }
0x195: {  	[hbm4b:s4+s0] =	stream.linear.scatter @!p1 [tilespmem:s3], [sflag:$0x2], $0x800, $0x38;
	[tilespmem:$0x1A5C0] =	vst v63  }
0x196: {  	s31 =	simm.s32 $0x45C0;
	_ =	swait.ge @!p1 [sflag:s2], $0x800  }
0x197: {  	s0 =	simm.s32 $0x2540;
	s3 =	simm.s32 $0x35C0;
	[sflag:s2] =	ssyncset.done @!p1 $0x0  }
0x198: {  	s4 =	simm.s32 $0x3DC0;
	[sflag:s2] =	ssyncadd.s32 @!p1 $0xFFFFF800;
	s2 =	simm.s32 $0x2DC0  }
.LBB2_6:
0x199: {  	_ =	sfence.sel $0x180000  }
0x19a: {  	[bflag:$0x0] =	sbarrier.arrive $0xFFFF  }
0x19b: {  	_ =	strace $0x90000047  }
0x19c: {  	[bflag:$0x2] =	sbarrier.arrive $0xFFFF  }
0x19d: {  	s0 =	rddreg [dreg:$0x5]  }
0x19e: {  	s0 =	sadd.s32 @!p0 $0x100000, s0  }
0x19f: {  	[sflag:s0] =	ssyncadd.tile.s32 @!p0 $0x1;
	_ =	shalt  }
.Lfunc_end2:
_tile_overlayer_lowered:
.L_overlay_start_2:
0x1a0: {  	(tag) =	ssettag $0x2  }
0x1a1: {  	s0 =	rddreg [dreg:$0x0];
	s2 =	stileid.u32  }
0x1a2: {  	s1 =	rddreg [dreg:$0x1];
	p0 =	sne.s32 s2, $0x0  }
0x1a3: {  	s3 =	rddreg [dreg:$0x2];
	[bflag:$0x3] =	sbarrier.arrive $0xFFFF;
	s2 =	simm.s32 @!p0 $0x1C02  }
0x1a4: {  	[timem:s3], [sflag:s2] =	dma.local @!p0 [hbm:s0], s1  }
0x1a5: {  	s0 =	simm.s32 @!p0 $0x2  }
0x1a6: {  	_ =	swait.ge @!p0 [sflag:s0], s1  }
0x1a7: {  	s1 =	ssub.s32 @!p0 $0x0, s1;
	[sflag:s0] =	ssyncset.done @!p0 $0x0  }
0x1a8: {  	[sflag:s0] =	ssyncadd.s32 @!p0 s1  }
0x1a9: {  	[bflag:$0x3] =	sbarrier.arrive $0xFFFF  }
0x1aa: {  	_ =	shalt  }

</sc_bundles>
